<compile_context>
chip_gen: v7x
topology: tpu7x:2x2x1
jax: 0.10.2.dev20260603
libtpu: 0.0.44.dev20260713+nightly
codegen_flags: <defaults>
</compile_context>

<pallas_src>
import functools
import jax
import jax.numpy as jnp
from jax import lax
from jax.experimental import pallas as pl
from jax.experimental.pallas import tpu as pltpu
from jax.experimental.pallas import tpu_sc as plsc

_S_SC = 8
_R = 224
_IDX = 112
_CH = 8


def _make_sc_kernel(N, S, s_off, HWD, E, dtype):
    info = plsc.get_sparse_core_info()
    NC, NS = info.num_cores, info.num_subcores
    NW = NC * NS
    S_sc = S - s_off
    n_slabs = N * S_sc
    assert n_slabs % NW == 0
    spw = n_slabs // NW
    n_chunks = HWD // _R
    if spw % N == 0:
        n_bufs = spw // N
    else:
        assert N % spw == 0
        n_bufs = 1
    mesh = plsc.VectorSubcoreMesh(core_axis_name="c", subcore_axis_name="s")

    @functools.partial(
        pl.kernel,
        mesh=mesh,
        out_type=jax.ShapeDtypeStruct((N, S, HWD, E), dtype),
        scratch_types=(
            [pltpu.VMEM((_R, E), dtype) for _ in range(n_bufs)]
            + [pltpu.VMEM((_IDX,), jnp.int32) for _ in range(n_bufs)]
            + [pltpu.SemaphoreType.DMA((n_bufs,)),
               pltpu.SemaphoreType.DMA((n_bufs,))]
        ),
    )
    def sc_kernel(table_hbm, out_hbm, *scratch):
        bufs = scratch[:n_bufs]
        idxs = scratch[n_bufs:2 * n_bufs]
        gsem, ssem = scratch[2 * n_bufs:]
        wid = lax.axis_index("s") * NC + lax.axis_index("c")
        gathers = [[] for _ in range(n_bufs)]
        scatters = [[] for _ in range(n_bufs)]
        svals = []
        for b in range(n_bufs):
            if spw % N == 0:
                s = wid * n_bufs + b + s_off
            else:
                s = wid // (N // spw) + s_off
            svals.append(s)
            splat = jnp.full((16,), s, jnp.int32)
            for i in range(_IDX // 16):
                idxs[b][pl.ds(i * 16, 16)] = splat
            for h in range(_R // _IDX):
                cp = pltpu.make_async_copy(
                    table_hbm.at[idxs[b]],
                    bufs[b].at[pl.ds(h * _IDX, _IDX)],
                    gsem.at[b],
                )
                cp.start()
                gathers[b].append(cp)
        for b in range(n_bufs):
            for cp in gathers[b]:
                cp.wait()
            if spw % N == 0:
                ns = list(range(N))
            else:
                n0 = (wid % (N // spw)) * spw
                ns = [n0 + k for k in range(spw)]
            for n in ns:
                for j in range(n_chunks):
                    cp = pltpu.make_async_copy(
                        bufs[b],
                        out_hbm.at[n, svals[b], pl.ds(j * _R, _R)],
                        ssem.at[b],
                    )
                    cp.start()
                    scatters[b].append(cp)
        for b in range(n_bufs):
            for cp in scatters[b]:
                cp.wait()

    return sc_kernel


def _tc_fill_kernel(S_tc, table_ref, partial_ref, out_ref, buf0, buf1, sem):
    del partial_ref
    N, S, HWD, E = out_ref.shape
    G = S_tc // _CH
    bufs = (buf0, buf1)

    def copies(g):
        buf = bufs[g % 2]
        return [
            pltpu.make_async_copy(
                buf, out_ref.at[n, pl.ds(g * _CH, _CH)], sem.at[g % 2]
            )
            for n in range(N)
        ]

    for g in range(G):
        if g >= 2:
            for c in copies(g - 2):
                c.wait()
        rows = table_ref[pl.ds(g * _CH, _CH), :]
        bufs[g % 2][...] = jnp.broadcast_to(rows[:, None, :], (_CH, HWD, E))
        for c in copies(g):
            c.start()
    for g in range(max(G - 2, 0), G):
        for c in copies(g):
            c.wait()


def kernel(x, table):
    N, S, H, W, D = x.shape
    T, E = table.shape
    HWD = H * W * D
    S_tc = S - _S_SC

    partial = _make_sc_kernel(N, S, S_tc, HWD, E, table.dtype)(table)
    out = pl.pallas_call(
        functools.partial(_tc_fill_kernel, S_tc),
        in_specs=[
            pl.BlockSpec(memory_space=pltpu.VMEM),
            pl.BlockSpec(memory_space=pl.ANY),
        ],
        out_specs=pl.BlockSpec(memory_space=pl.ANY),
        out_shape=jax.ShapeDtypeStruct((N, S, HWD, E), table.dtype),
        scratch_shapes=[
            pltpu.VMEM((_CH, HWD, E), table.dtype),
            pltpu.VMEM((_CH, HWD, E), table.dtype),
            pltpu.SemaphoreType.DMA((2,)),
        ],
        input_output_aliases={1: 0},
    )(table, partial)
    return out.reshape(N, S, H, W, D, E)

# --- scband reference (transcript-rebuilt; emitter-appended) ---
"""Pipeline reference for scband-positional-embedding-16192026706209 (READ-ONLY COPY).

The authoritative reference and input builder live on the scoring server;
editing this copy changes nothing except your own understanding.
"""

import jax, jax.numpy as jnp
import numpy as np

BPTT = 64  # module reads global cfg['bptt']; table has 2*bptt rows
EMBED = 128

def setup_inputs(seed: int = 0) -> dict:
    key = jax.random.key(seed)
    k1, k2 = jax.random.split(key)
    x = jax.random.normal(k1, (4, 64, 14, 14, 8), dtype=jnp.float32)
    table = jax.random.normal(k2, (2 * BPTT, EMBED), dtype=jnp.float32) * 0.02
    return {"x": x, "table": table}

def reference(x, table):
    N, S, H, W, D = x.shape
    position = jnp.arange(S, dtype=jnp.int32).reshape(1, S, 1, 1, 1)
    position = jnp.broadcast_to(position, (N, S, H, W, D))
    out = jnp.take(table, position, axis=0)
    return out

if __name__ == "__main__":
    import jax
    _d = setup_inputs()
    print(jax.jit(kernel)(*tuple(_d.values())))

</pallas_src>

<mosaic_0001>
#map = affine_map<(d0, d1) -> (0, 0)>
#map1 = affine_map<(d0, d1) -> (0, 0, 0, 0)>
module attributes {stable_mosaic.version = 14 : i64} {
  func.func @sc_kernel(%arg0: i32, %arg1: i32, %arg2: memref<128x128xf32, #tpu.memory_space<hbm>>, %arg3: memref<4x64x1568x128xf32, #tpu.memory_space<hbm>>, %arg4: memref<224x128xf32, #tpu.memory_space<vmem>>, %arg5: memref<112xi32, #tpu.memory_space<vmem>>, %arg6: memref<1x!tpu.dma_semaphore, #tpu.memory_space<semaphore_mem>>, %arg7: memref<1x!tpu.dma_semaphore, #tpu.memory_space<semaphore_mem>>) attributes {dimension_semantics = [#tpu.dimension_semantics<core_parallel>, #tpu.dimension_semantics<subcore_parallel>], iteration_bounds = array<i64: 2, 16>, scalar_prefetch = 0 : i64, scratch_operands = 4 : i64, tpu.core_type = #tpu.core_type<sc_vector_subcore>, window_params = [{transform_indices = #map}, {transform_indices = #map1}]} {
    %mul3A = arith.constant 2 : i32
    %mul3A_0 = arith.muli %arg1, %mul3A : i32
    %add3A = arith.addi %mul3A_0, %arg0 : i32
    %jit3A = arith.constant 4 : i32
    %div3A = arith.divsi %add3A, %jit3A : i32
    %sign3A = arith.constant 0 : i32
    %sign3A_1 = arith.cmpi sgt, %add3A, %sign3A : i32
    %sign3A_2 = arith.extui %sign3A_1 : i1 to i32
    %sign3A_3 = arith.constant 0 : i32
    %sign3A_4 = arith.cmpi slt, %add3A, %sign3A_3 : i32
    %sign3A_5 = arith.extui %sign3A_4 : i1 to i32
    %sign3A_6 = arith.subi %sign3A_2, %sign3A_5 : i32
    %sign3A_7 = arith.constant 0 : i32
    %sign3A_8 = arith.cmpi sgt, %jit3A, %sign3A_7 : i32
    %sign3A_9 = arith.extui %sign3A_8 : i1 to i32
    %sign3A_10 = arith.constant 0 : i32
    %sign3A_11 = arith.cmpi slt, %jit3A, %sign3A_10 : i32
    %sign3A_12 = arith.extui %sign3A_11 : i1 to i32
    %sign3A_13 = arith.subi %sign3A_9, %sign3A_12 : i32
    %ne3A = arith.cmpi ne, %sign3A_6, %sign3A_13 : i32
    %rem3A = arith.remsi %add3A, %jit3A : i32
    %ne3A_14 = arith.constant 0 : i32
    %ne3A_15 = arith.cmpi ne, %rem3A, %ne3A_14 : i32
    %and3A = arith.andi %ne3A, %ne3A_15 : i1
    %sub3A = arith.constant 1 : i32
    %sub3A_16 = arith.subi %div3A, %sub3A : i32
    %select_n3A = arith.select %and3A, %sub3A_16, %div3A : i32
    %add3A_17 = arith.constant 56 : i32
    %add3A_18 = arith.addi %select_n3A, %add3A_17 : i32
    %broadcast_in_dim3A = vector.broadcast %add3A_18 : i32 to vector<16xi32>
    %swap3A = arith.constant 0 : index
    %swap3A_19 = tpu.vector_load %arg5[%swap3A] {strides = array<i32>} : memref<112xi32, #tpu.memory_space<vmem>>, vector<16xi32>,
    %swap3A_20 = vector.shape_cast %swap3A_19 : vector<16xi32> to vector<16xi32>
    %swap3A_21 = vector.shape_cast %broadcast_in_dim3A : vector<16xi32> to vector<16xi32>
    tpu.vector_store %arg5[%swap3A], %swap3A_21 {strides = array<i32>} : memref<112xi32, #tpu.memory_space<vmem>>, vector<16xi32>,
    %swap3A_22 = arith.constant 16 : index
    %swap3A_23 = tpu.vector_load %arg5[%swap3A_22] {strides = array<i32>} : memref<112xi32, #tpu.memory_space<vmem>>, vector<16xi32>,
    %swap3A_24 = vector.shape_cast %swap3A_23 : vector<16xi32> to vector<16xi32>
    %swap3A_25 = vector.shape_cast %broadcast_in_dim3A : vector<16xi32> to vector<16xi32>
    tpu.vector_store %arg5[%swap3A_22], %swap3A_25 {strides = array<i32>} : memref<112xi32, #tpu.memory_space<vmem>>, vector<16xi32>,
    %swap3A_26 = arith.constant 32 : index
    %swap3A_27 = tpu.vector_load %arg5[%swap3A_26] {strides = array<i32>} : memref<112xi32, #tpu.memory_space<vmem>>, vector<16xi32>,
    %swap3A_28 = vector.shape_cast %swap3A_27 : vector<16xi32> to vector<16xi32>
    %swap3A_29 = vector.shape_cast %broadcast_in_dim3A : vector<16xi32> to vector<16xi32>
    tpu.vector_store %arg5[%swap3A_26], %swap3A_29 {strides = array<i32>} : memref<112xi32, #tpu.memory_space<vmem>>, vector<16xi32>,
    %swap3A_30 = arith.constant 48 : index
    %swap3A_31 = tpu.vector_load %arg5[%swap3A_30] {strides = array<i32>} : memref<112xi32, #tpu.memory_space<vmem>>, vector<16xi32>,
    %swap3A_32 = vector.shape_cast %swap3A_31 : vector<16xi32> to vector<16xi32>
    %swap3A_33 = vector.shape_cast %broadcast_in_dim3A : vector<16xi32> to vector<16xi32>
    tpu.vector_store %arg5[%swap3A_30], %swap3A_33 {strides = array<i32>} : memref<112xi32, #tpu.memory_space<vmem>>, vector<16xi32>,
    %swap3A_34 = arith.constant 64 : index
    %swap3A_35 = tpu.vector_load %arg5[%swap3A_34] {strides = array<i32>} : memref<112xi32, #tpu.memory_space<vmem>>, vector<16xi32>,
    %swap3A_36 = vector.shape_cast %swap3A_35 : vector<16xi32> to vector<16xi32>
    %swap3A_37 = vector.shape_cast %broadcast_in_dim3A : vector<16xi32> to vector<16xi32>
    tpu.vector_store %arg5[%swap3A_34], %swap3A_37 {strides = array<i32>} : memref<112xi32, #tpu.memory_space<vmem>>, vector<16xi32>,
    %swap3A_38 = arith.constant 80 : index
    %swap3A_39 = tpu.vector_load %arg5[%swap3A_38] {strides = array<i32>} : memref<112xi32, #tpu.memory_space<vmem>>, vector<16xi32>,
    %swap3A_40 = vector.shape_cast %swap3A_39 : vector<16xi32> to vector<16xi32>
    %swap3A_41 = vector.shape_cast %broadcast_in_dim3A : vector<16xi32> to vector<16xi32>
    tpu.vector_store %arg5[%swap3A_38], %swap3A_41 {strides = array<i32>} : memref<112xi32, #tpu.memory_space<vmem>>, vector<16xi32>,
    %swap3A_42 = arith.constant 96 : index
    %swap3A_43 = tpu.vector_load %arg5[%swap3A_42] {strides = array<i32>} : memref<112xi32, #tpu.memory_space<vmem>>, vector<16xi32>,
    %swap3A_44 = vector.shape_cast %swap3A_43 : vector<16xi32> to vector<16xi32>
    %swap3A_45 = vector.shape_cast %broadcast_in_dim3A : vector<16xi32> to vector<16xi32>
    tpu.vector_store %arg5[%swap3A_42], %swap3A_45 {strides = array<i32>} : memref<112xi32, #tpu.memory_space<vmem>>, vector<16xi32>,
    %dma_start3A = arith.constant 0 : i32
    %dma_start3A_46 = arith.constant 0 : i32
    %dma_start3A_47 = arith.constant 0 : i32
    %dma_start3A_48 = tpu.memref_slice %arg4[%dma_start3A_46, %dma_start3A_47] : memref<224x128xf32, #tpu.memory_space<vmem>> -> memref<112x128xf32, #tpu.memory_space<vmem>>
    %dma_start3A_49 = arith.constant 0 : i32
    %dma_start3A_50 = arith.constant 0 : i32
    %dma_start3A_51 = tpu.memref_slice %arg2[%dma_start3A_49, %dma_start3A_50] : memref<128x128xf32, #tpu.memory_space<hbm>> -> memref<128x128xf32, #tpu.memory_space<hbm>>
    %dma_start3A_52 = tpu.memref_slice %arg6[%dma_start3A] : memref<1x!tpu.dma_semaphore, #tpu.memory_space<semaphore_mem>> -> memref<1x!tpu.dma_semaphore, #tpu.memory_space<semaphore_mem>>
    %dma_start3A_53 = tpu.memref_squeeze %dma_start3A_52 : memref<1x!tpu.dma_semaphore, #tpu.memory_space<semaphore_mem>> -> memref<!tpu.dma_semaphore, #tpu.memory_space<semaphore_mem>>
    tpu.enqueue_indirect_dma source(%dma_start3A_51 : memref<128x128xf32, #tpu.memory_space<hbm>>) target(%dma_start3A_48 : memref<112x128xf32, #tpu.memory_space<vmem>>) offsets(%arg5 : memref<112xi32, #tpu.memory_space<vmem>>) semaphore(%dma_start3A_53 : memref<!tpu.dma_semaphore, #tpu.memory_space<semaphore_mem>>)
    %dma_start3A_54 = arith.constant 0 : i32
    %dma_start3A_55 = arith.constant 112 : i32
    %dma_start3A_56 = arith.constant 0 : i32
    %dma_start3A_57 = tpu.memref_slice %arg4[%dma_start3A_55, %dma_start3A_56] : memref<224x128xf32, #tpu.memory_space<vmem>> -> memref<112x128xf32, #tpu.memory_space<vmem>>
    %dma_start3A_58 = arith.constant 0 : i32
    %dma_start3A_59 = arith.constant 0 : i32
    %dma_start3A_60 = tpu.memref_slice %arg2[%dma_start3A_58, %dma_start3A_59] : memref<128x128xf32, #tpu.memory_space<hbm>> -> memref<128x128xf32, #tpu.memory_space<hbm>>
    %dma_start3A_61 = tpu.memref_slice %arg6[%dma_start3A_54] : memref<1x!tpu.dma_semaphore, #tpu.memory_space<semaphore_mem>> -> memref<1x!tpu.dma_semaphore, #tpu.memory_space<semaphore_mem>>
    %dma_start3A_62 = tpu.memref_squeeze %dma_start3A_61 : memref<1x!tpu.dma_semaphore, #tpu.memory_space<semaphore_mem>> -> memref<!tpu.dma_semaphore, #tpu.memory_space<semaphore_mem>>
    tpu.enqueue_indirect_dma source(%dma_start3A_60 : memref<128x128xf32, #tpu.memory_space<hbm>>) target(%dma_start3A_57 : memref<112x128xf32, #tpu.memory_space<vmem>>) offsets(%arg5 : memref<112xi32, #tpu.memory_space<vmem>>) semaphore(%dma_start3A_62 : memref<!tpu.dma_semaphore, #tpu.memory_space<semaphore_mem>>)
    %dma_wait3A = arith.constant 0 : i32
    %dma_wait3A_63 = arith.constant 0 : i32
    %dma_wait3A_64 = arith.constant 0 : i32
    %dma_wait3A_65 = tpu.memref_slice %arg4[%dma_wait3A_63, %dma_wait3A_64] : memref<224x128xf32, #tpu.memory_space<vmem>> -> memref<112x128xf32, #tpu.memory_space<vmem>>
    %dma_wait3A_66 = arith.constant 0 : i32
    %dma_wait3A_67 = arith.constant 0 : i32
    %dma_wait3A_68 = tpu.memref_slice %arg2[%dma_wait3A_66, %dma_wait3A_67] : memref<128x128xf32, #tpu.memory_space<hbm>> -> memref<128x128xf32, #tpu.memory_space<hbm>>
    %dma_wait3A_69 = tpu.memref_slice %arg6[%dma_wait3A] : memref<1x!tpu.dma_semaphore, #tpu.memory_space<semaphore_mem>> -> memref<1x!tpu.dma_semaphore, #tpu.memory_space<semaphore_mem>>
    %dma_wait3A_70 = tpu.memref_squeeze %dma_wait3A_69 : memref<1x!tpu.dma_semaphore, #tpu.memory_space<semaphore_mem>> -> memref<!tpu.dma_semaphore, #tpu.memory_space<semaphore_mem>>
    tpu.wait_indirect_dma semaphore(%dma_wait3A_70 : memref<!tpu.dma_semaphore, #tpu.memory_space<semaphore_mem>>) src(%dma_wait3A_68 : memref<128x128xf32, #tpu.memory_space<hbm>>) dst(%dma_wait3A_65 : memref<112x128xf32, #tpu.memory_space<vmem>>)
    %dma_wait3A_71 = arith.constant 0 : i32
    %dma_wait3A_72 = arith.constant 112 : i32
    %dma_wait3A_73 = arith.constant 0 : i32
    %dma_wait3A_74 = tpu.memref_slice %arg4[%dma_wait3A_72, %dma_wait3A_73] : memref<224x128xf32, #tpu.memory_space<vmem>> -> memref<112x128xf32, #tpu.memory_space<vmem>>
    %dma_wait3A_75 = arith.constant 0 : i32
    %dma_wait3A_76 = arith.constant 0 : i32
    %dma_wait3A_77 = tpu.memref_slice %arg2[%dma_wait3A_75, %dma_wait3A_76] : memref<128x128xf32, #tpu.memory_space<hbm>> -> memref<128x128xf32, #tpu.memory_space<hbm>>
    %dma_wait3A_78 = tpu.memref_slice %arg6[%dma_wait3A_71] : memref<1x!tpu.dma_semaphore, #tpu.memory_space<semaphore_mem>> -> memref<1x!tpu.dma_semaphore, #tpu.memory_space<semaphore_mem>>
    %dma_wait3A_79 = tpu.memref_squeeze %dma_wait3A_78 : memref<1x!tpu.dma_semaphore, #tpu.memory_space<semaphore_mem>> -> memref<!tpu.dma_semaphore, #tpu.memory_space<semaphore_mem>>
    tpu.wait_indirect_dma semaphore(%dma_wait3A_79 : memref<!tpu.dma_semaphore, #tpu.memory_space<semaphore_mem>>) src(%dma_wait3A_77 : memref<128x128xf32, #tpu.memory_space<hbm>>) dst(%dma_wait3A_74 : memref<112x128xf32, #tpu.memory_space<vmem>>)
    %jit3A_80 = arith.constant 4 : i32
    %eq3A = arith.constant 0 : i32
    %eq3A_81 = arith.cmpi eq, %jit3A_80, %eq3A : i32
    %jit3A_82 = arith.constant 1 : i32
    %select_n3A_83 = arith.select %eq3A_81, %jit3A_82, %jit3A_80 : i32
    %rem3A_84 = arith.remsi %add3A, %select_n3A_83 : i32
    %ne3A_85 = arith.constant 0 : i32
    %ne3A_86 = arith.cmpi ne, %rem3A_84, %ne3A_85 : i32
    %lt3A = arith.constant 0 : i32
    %lt3A_87 = arith.cmpi slt, %rem3A_84, %lt3A : i32
    %lt3A_88 = arith.constant 0 : i32
    %lt3A_89 = arith.cmpi slt, %select_n3A_83, %lt3A_88 : i32
    %ne3A_90 = arith.xori %lt3A_87, %lt3A_89 : i1
    %and3A_91 = arith.andi %ne3A_90, %ne3A_86 : i1
    %add3A_92 = arith.addi %rem3A_84, %select_n3A_83 : i32
    %select_n3A_93 = arith.select %and3A_91, %add3A_92, %rem3A_84 : i32
    %mul3A_94 = arith.constant 1 : i32
    %mul3A_95 = arith.muli %select_n3A_93, %mul3A_94 : i32
    %add3A_96 = arith.constant 0 : i32
    %add3A_97 = arith.addi %mul3A_95, %add3A_96 : i32
    %dma_start3A_98 = arith.constant 0 : i32
    %dma_start3A_99 = arith.constant 0 : i32
    %dma_start3A_100 = arith.constant 0 : i32
    %dma_start3A_101 = tpu.memref_slice %arg3[%add3A_97, %add3A_18, %dma_start3A_99, %dma_start3A_100] : memref<4x64x1568x128xf32, #tpu.memory_space<hbm>> -> memref<1x1x224x128xf32, #tpu.memory_space<hbm>>
    %dma_start3A_102 = tpu.memref_squeeze %dma_start3A_101 : memref<1x1x224x128xf32, #tpu.memory_space<hbm>> -> memref<224x128xf32, #tpu.memory_space<hbm>>
    %dma_start3A_103 = tpu.memref_slice %arg7[%dma_start3A_98] : memref<1x!tpu.dma_semaphore, #tpu.memory_space<semaphore_mem>> -> memref<1x!tpu.dma_semaphore, #tpu.memory_space<semaphore_mem>>
    %dma_start3A_104 = tpu.memref_squeeze %dma_start3A_103 : memref<1x!tpu.dma_semaphore, #tpu.memory_space<semaphore_mem>> -> memref<!tpu.dma_semaphore, #tpu.memory_space<semaphore_mem>>
    %dma_start3A_105 = arith.constant 0 : i32
    %dma_start3A_106 = arith.constant 0 : i32
    %dma_start3A_107 = tpu.memref_slice %arg3[%add3A_97, %add3A_18, %dma_start3A_105, %dma_start3A_106] : memref<4x64x1568x128xf32, #tpu.memory_space<hbm>> -> memref<1x1x224x128xf32, #tpu.memory_space<hbm>>
    %dma_start3A_108 = tpu.memref_squeeze %dma_start3A_107 : memref<1x1x224x128xf32, #tpu.memory_space<hbm>> -> memref<224x128xf32, #tpu.memory_space<hbm>>
    tpu.enqueue_dma source(%arg4 : memref<224x128xf32, #tpu.memory_space<vmem>>) target(%dma_start3A_108 : memref<224x128xf32, #tpu.memory_space<hbm>>) target_semaphore(%dma_start3A_104 : memref<!tpu.dma_semaphore, #tpu.memory_space<semaphore_mem>>)
    %dma_start3A_109 = arith.constant 0 : i32
    %dma_start3A_110 = arith.constant 224 : i32
    %dma_start3A_111 = arith.constant 0 : i32
    %dma_start3A_112 = tpu.memref_slice %arg3[%add3A_97, %add3A_18, %dma_start3A_110, %dma_start3A_111] : memref<4x64x1568x128xf32, #tpu.memory_space<hbm>> -> memref<1x1x224x128xf32, #tpu.memory_space<hbm>>
    %dma_start3A_113 = tpu.memref_squeeze %dma_start3A_112 : memref<1x1x224x128xf32, #tpu.memory_space<hbm>> -> memref<224x128xf32, #tpu.memory_space<hbm>>
    %dma_start3A_114 = tpu.memref_slice %arg7[%dma_start3A_109] : memref<1x!tpu.dma_semaphore, #tpu.memory_space<semaphore_mem>> -> memref<1x!tpu.dma_semaphore, #tpu.memory_space<semaphore_mem>>
    %dma_start3A_115 = tpu.memref_squeeze %dma_start3A_114 : memref<1x!tpu.dma_semaphore, #tpu.memory_space<semaphore_mem>> -> memref<!tpu.dma_semaphore, #tpu.memory_space<semaphore_mem>>
    %dma_start3A_116 = arith.constant 224 : i32
    %dma_start3A_117 = arith.constant 0 : i32
    %dma_start3A_118 = tpu.memref_slice %arg3[%add3A_97, %add3A_18, %dma_start3A_116, %dma_start3A_117] : memref<4x64x1568x128xf32, #tpu.memory_space<hbm>> -> memref<1x1x224x128xf32, #tpu.memory_space<hbm>>
    %dma_start3A_119 = tpu.memref_squeeze %dma_start3A_118 : memref<1x1x224x128xf32, #tpu.memory_space<hbm>> -> memref<224x128xf32, #tpu.memory_space<hbm>>
    tpu.enqueue_dma source(%arg4 : memref<224x128xf32, #tpu.memory_space<vmem>>) target(%dma_start3A_119 : memref<224x128xf32, #tpu.memory_space<hbm>>) target_semaphore(%dma_start3A_115 : memref<!tpu.dma_semaphore, #tpu.memory_space<semaphore_mem>>)
    %dma_start3A_120 = arith.constant 0 : i32
    %dma_start3A_121 = arith.constant 448 : i32
    %dma_start3A_122 = arith.constant 0 : i32
    %dma_start3A_123 = tpu.memref_slice %arg3[%add3A_97, %add3A_18, %dma_start3A_121, %dma_start3A_122] : memref<4x64x1568x128xf32, #tpu.memory_space<hbm>> -> memref<1x1x224x128xf32, #tpu.memory_space<hbm>>
    %dma_start3A_124 = tpu.memref_squeeze %dma_start3A_123 : memref<1x1x224x128xf32, #tpu.memory_space<hbm>> -> memref<224x128xf32, #tpu.memory_space<hbm>>
    %dma_start3A_125 = tpu.memref_slice %arg7[%dma_start3A_120] : memref<1x!tpu.dma_semaphore, #tpu.memory_space<semaphore_mem>> -> memref<1x!tpu.dma_semaphore, #tpu.memory_space<semaphore_mem>>
    %dma_start3A_126 = tpu.memref_squeeze %dma_start3A_125 : memref<1x!tpu.dma_semaphore, #tpu.memory_space<semaphore_mem>> -> memref<!tpu.dma_semaphore, #tpu.memory_space<semaphore_mem>>
    %dma_start3A_127 = arith.constant 448 : i32
    %dma_start3A_128 = arith.constant 0 : i32
    %dma_start3A_129 = tpu.memref_slice %arg3[%add3A_97, %add3A_18, %dma_start3A_127, %dma_start3A_128] : memref<4x64x1568x128xf32, #tpu.memory_space<hbm>> -> memref<1x1x224x128xf32, #tpu.memory_space<hbm>>
    %dma_start3A_130 = tpu.memref_squeeze %dma_start3A_129 : memref<1x1x224x128xf32, #tpu.memory_space<hbm>> -> memref<224x128xf32, #tpu.memory_space<hbm>>
    tpu.enqueue_dma source(%arg4 : memref<224x128xf32, #tpu.memory_space<vmem>>) target(%dma_start3A_130 : memref<224x128xf32, #tpu.memory_space<hbm>>) target_semaphore(%dma_start3A_126 : memref<!tpu.dma_semaphore, #tpu.memory_space<semaphore_mem>>)
    %dma_start3A_131 = arith.constant 0 : i32
    %dma_start3A_132 = arith.constant 672 : i32
    %dma_start3A_133 = arith.constant 0 : i32
    %dma_start3A_134 = tpu.memref_slice %arg3[%add3A_97, %add3A_18, %dma_start3A_132, %dma_start3A_133] : memref<4x64x1568x128xf32, #tpu.memory_space<hbm>> -> memref<1x1x224x128xf32, #tpu.memory_space<hbm>>
    %dma_start3A_135 = tpu.memref_squeeze %dma_start3A_134 : memref<1x1x224x128xf32, #tpu.memory_space<hbm>> -> memref<224x128xf32, #tpu.memory_space<hbm>>
    %dma_start3A_136 = tpu.memref_slice %arg7[%dma_start3A_131] : memref<1x!tpu.dma_semaphore, #tpu.memory_space<semaphore_mem>> -> memref<1x!tpu.dma_semaphore, #tpu.memory_space<semaphore_mem>>
    %dma_start3A_137 = tpu.memref_squeeze %dma_start3A_136 : memref<1x!tpu.dma_semaphore, #tpu.memory_space<semaphore_mem>> -> memref<!tpu.dma_semaphore, #tpu.memory_space<semaphore_mem>>
    %dma_start3A_138 = arith.constant 672 : i32
    %dma_start3A_139 = arith.constant 0 : i32
    %dma_start3A_140 = tpu.memref_slice %arg3[%add3A_97, %add3A_18, %dma_start3A_138, %dma_start3A_139] : memref<4x64x1568x128xf32, #tpu.memory_space<hbm>> -> memref<1x1x224x128xf32, #tpu.memory_space<hbm>>
    %dma_start3A_141 = tpu.memref_squeeze %dma_start3A_140 : memref<1x1x224x128xf32, #tpu.memory_space<hbm>> -> memref<224x128xf32, #tpu.memory_space<hbm>>
    tpu.enqueue_dma source(%arg4 : memref<224x128xf32, #tpu.memory_space<vmem>>) target(%dma_start3A_141 : memref<224x128xf32, #tpu.memory_space<hbm>>) target_semaphore(%dma_start3A_137 : memref<!tpu.dma_semaphore, #tpu.memory_space<semaphore_mem>>)
    %dma_start3A_142 = arith.constant 0 : i32
    %dma_start3A_143 = arith.constant 896 : i32
    %dma_start3A_144 = arith.constant 0 : i32
    %dma_start3A_145 = tpu.memref_slice %arg3[%add3A_97, %add3A_18, %dma_start3A_143, %dma_start3A_144] : memref<4x64x1568x128xf32, #tpu.memory_space<hbm>> -> memref<1x1x224x128xf32, #tpu.memory_space<hbm>>
    %dma_start3A_146 = tpu.memref_squeeze %dma_start3A_145 : memref<1x1x224x128xf32, #tpu.memory_space<hbm>> -> memref<224x128xf32, #tpu.memory_space<hbm>>
    %dma_start3A_147 = tpu.memref_slice %arg7[%dma_start3A_142] : memref<1x!tpu.dma_semaphore, #tpu.memory_space<semaphore_mem>> -> memref<1x!tpu.dma_semaphore, #tpu.memory_space<semaphore_mem>>
    %dma_start3A_148 = tpu.memref_squeeze %dma_start3A_147 : memref<1x!tpu.dma_semaphore, #tpu.memory_space<semaphore_mem>> -> memref<!tpu.dma_semaphore, #tpu.memory_space<semaphore_mem>>
    %dma_start3A_149 = arith.constant 896 : i32
    %dma_start3A_150 = arith.constant 0 : i32
    %dma_start3A_151 = tpu.memref_slice %arg3[%add3A_97, %add3A_18, %dma_start3A_149, %dma_start3A_150] : memref<4x64x1568x128xf32, #tpu.memory_space<hbm>> -> memref<1x1x224x128xf32, #tpu.memory_space<hbm>>
    %dma_start3A_152 = tpu.memref_squeeze %dma_start3A_151 : memref<1x1x224x128xf32, #tpu.memory_space<hbm>> -> memref<224x128xf32, #tpu.memory_space<hbm>>
    tpu.enqueue_dma source(%arg4 : memref<224x128xf32, #tpu.memory_space<vmem>>) target(%dma_start3A_152 : memref<224x128xf32, #tpu.memory_space<hbm>>) target_semaphore(%dma_start3A_148 : memref<!tpu.dma_semaphore, #tpu.memory_space<semaphore_mem>>)
    %dma_start3A_153 = arith.constant 0 : i32
    %dma_start3A_154 = arith.constant 1120 : i32
    %dma_start3A_155 = arith.constant 0 : i32
    %dma_start3A_156 = tpu.memref_slice %arg3[%add3A_97, %add3A_18, %dma_start3A_154, %dma_start3A_155] : memref<4x64x1568x128xf32, #tpu.memory_space<hbm>> -> memref<1x1x224x128xf32, #tpu.memory_space<hbm>>
    %dma_start3A_157 = tpu.memref_squeeze %dma_start3A_156 : memref<1x1x224x128xf32, #tpu.memory_space<hbm>> -> memref<224x128xf32, #tpu.memory_space<hbm>>
    %dma_start3A_158 = tpu.memref_slice %arg7[%dma_start3A_153] : memref<1x!tpu.dma_semaphore, #tpu.memory_space<semaphore_mem>> -> memref<1x!tpu.dma_semaphore, #tpu.memory_space<semaphore_mem>>
    %dma_start3A_159 = tpu.memref_squeeze %dma_start3A_158 : memref<1x!tpu.dma_semaphore, #tpu.memory_space<semaphore_mem>> -> memref<!tpu.dma_semaphore, #tpu.memory_space<semaphore_mem>>
    %dma_start3A_160 = arith.constant 1120 : i32
    %dma_start3A_161 = arith.constant 0 : i32
    %dma_start3A_162 = tpu.memref_slice %arg3[%add3A_97, %add3A_18, %dma_start3A_160, %dma_start3A_161] : memref<4x64x1568x128xf32, #tpu.memory_space<hbm>> -> memref<1x1x224x128xf32, #tpu.memory_space<hbm>>
    %dma_start3A_163 = tpu.memref_squeeze %dma_start3A_162 : memref<1x1x224x128xf32, #tpu.memory_space<hbm>> -> memref<224x128xf32, #tpu.memory_space<hbm>>
    tpu.enqueue_dma source(%arg4 : memref<224x128xf32, #tpu.memory_space<vmem>>) target(%dma_start3A_163 : memref<224x128xf32, #tpu.memory_space<hbm>>) target_semaphore(%dma_start3A_159 : memref<!tpu.dma_semaphore, #tpu.memory_space<semaphore_mem>>)
    %dma_start3A_164 = arith.constant 0 : i32
    %dma_start3A_165 = arith.constant 1344 : i32
    %dma_start3A_166 = arith.constant 0 : i32
    %dma_start3A_167 = tpu.memref_slice %arg3[%add3A_97, %add3A_18, %dma_start3A_165, %dma_start3A_166] : memref<4x64x1568x128xf32, #tpu.memory_space<hbm>> -> memref<1x1x224x128xf32, #tpu.memory_space<hbm>>
    %dma_start3A_168 = tpu.memref_squeeze %dma_start3A_167 : memref<1x1x224x128xf32, #tpu.memory_space<hbm>> -> memref<224x128xf32, #tpu.memory_space<hbm>>
    %dma_start3A_169 = tpu.memref_slice %arg7[%dma_start3A_164] : memref<1x!tpu.dma_semaphore, #tpu.memory_space<semaphore_mem>> -> memref<1x!tpu.dma_semaphore, #tpu.memory_space<semaphore_mem>>
    %dma_start3A_170 = tpu.memref_squeeze %dma_start3A_169 : memref<1x!tpu.dma_semaphore, #tpu.memory_space<semaphore_mem>> -> memref<!tpu.dma_semaphore, #tpu.memory_space<semaphore_mem>>
    %dma_start3A_171 = arith.constant 1344 : i32
    %dma_start3A_172 = arith.constant 0 : i32
    %dma_start3A_173 = tpu.memref_slice %arg3[%add3A_97, %add3A_18, %dma_start3A_171, %dma_start3A_172] : memref<4x64x1568x128xf32, #tpu.memory_space<hbm>> -> memref<1x1x224x128xf32, #tpu.memory_space<hbm>>
    %dma_start3A_174 = tpu.memref_squeeze %dma_start3A_173 : memref<1x1x224x128xf32, #tpu.memory_space<hbm>> -> memref<224x128xf32, #tpu.memory_space<hbm>>
    tpu.enqueue_dma source(%arg4 : memref<224x128xf32, #tpu.memory_space<vmem>>) target(%dma_start3A_174 : memref<224x128xf32, #tpu.memory_space<hbm>>) target_semaphore(%dma_start3A_170 : memref<!tpu.dma_semaphore, #tpu.memory_space<semaphore_mem>>)
    %dma_wait3A_175 = arith.constant 0 : i32
    %dma_wait3A_176 = arith.constant 0 : i32
    %dma_wait3A_177 = arith.constant 0 : i32
    %dma_wait3A_178 = tpu.memref_slice %arg3[%add3A_97, %add3A_18, %dma_wait3A_176, %dma_wait3A_177] : memref<4x64x1568x128xf32, #tpu.memory_space<hbm>> -> memref<1x1x224x128xf32, #tpu.memory_space<hbm>>
    %dma_wait3A_179 = tpu.memref_squeeze %dma_wait3A_178 : memref<1x1x224x128xf32, #tpu.memory_space<hbm>> -> memref<224x128xf32, #tpu.memory_space<hbm>>
    %dma_wait3A_180 = tpu.memref_slice %arg7[%dma_wait3A_175] : memref<1x!tpu.dma_semaphore, #tpu.memory_space<semaphore_mem>> -> memref<1x!tpu.dma_semaphore, #tpu.memory_space<semaphore_mem>>
    %dma_wait3A_181 = tpu.memref_squeeze %dma_wait3A_180 : memref<1x!tpu.dma_semaphore, #tpu.memory_space<semaphore_mem>> -> memref<!tpu.dma_semaphore, #tpu.memory_space<semaphore_mem>>
    %dma_wait3A_182 = arith.constant 0 : i32
    %dma_wait3A_183 = arith.constant 0 : i32
    %dma_wait3A_184 = tpu.memref_slice %arg3[%add3A_97, %add3A_18, %dma_wait3A_182, %dma_wait3A_183] : memref<4x64x1568x128xf32, #tpu.memory_space<hbm>> -> memref<1x1x224x128xf32, #tpu.memory_space<hbm>>
    %dma_wait3A_185 = tpu.memref_squeeze %dma_wait3A_184 : memref<1x1x224x128xf32, #tpu.memory_space<hbm>> -> memref<224x128xf32, #tpu.memory_space<hbm>>
    tpu.wait_dma2 semaphore(%dma_wait3A_181 : memref<!tpu.dma_semaphore, #tpu.memory_space<semaphore_mem>>) src(%arg4 : memref<224x128xf32, #tpu.memory_space<vmem>>) dst(%dma_wait3A_185 : memref<224x128xf32, #tpu.memory_space<hbm>>)
    %dma_wait3A_186 = arith.constant 0 : i32
    %dma_wait3A_187 = arith.constant 224 : i32
    %dma_wait3A_188 = arith.constant 0 : i32
    %dma_wait3A_189 = tpu.memref_slice %arg3[%add3A_97, %add3A_18, %dma_wait3A_187, %dma_wait3A_188] : memref<4x64x1568x128xf32, #tpu.memory_space<hbm>> -> memref<1x1x224x128xf32, #tpu.memory_space<hbm>>
    %dma_wait3A_190 = tpu.memref_squeeze %dma_wait3A_189 : memref<1x1x224x128xf32, #tpu.memory_space<hbm>> -> memref<224x128xf32, #tpu.memory_space<hbm>>
    %dma_wait3A_191 = tpu.memref_slice %arg7[%dma_wait3A_186] : memref<1x!tpu.dma_semaphore, #tpu.memory_space<semaphore_mem>> -> memref<1x!tpu.dma_semaphore, #tpu.memory_space<semaphore_mem>>
    %dma_wait3A_192 = tpu.memref_squeeze %dma_wait3A_191 : memref<1x!tpu.dma_semaphore, #tpu.memory_space<semaphore_mem>> -> memref<!tpu.dma_semaphore, #tpu.memory_space<semaphore_mem>>
    %dma_wait3A_193 = arith.constant 224 : i32
    %dma_wait3A_194 = arith.constant 0 : i32
    %dma_wait3A_195 = tpu.memref_slice %arg3[%add3A_97, %add3A_18, %dma_wait3A_193, %dma_wait3A_194] : memref<4x64x1568x128xf32, #tpu.memory_space<hbm>> -> memref<1x1x224x128xf32, #tpu.memory_space<hbm>>
    %dma_wait3A_196 = tpu.memref_squeeze %dma_wait3A_195 : memref<1x1x224x128xf32, #tpu.memory_space<hbm>> -> memref<224x128xf32, #tpu.memory_space<hbm>>
    tpu.wait_dma2 semaphore(%dma_wait3A_192 : memref<!tpu.dma_semaphore, #tpu.memory_space<semaphore_mem>>) src(%arg4 : memref<224x128xf32, #tpu.memory_space<vmem>>) dst(%dma_wait3A_196 : memref<224x128xf32, #tpu.memory_space<hbm>>)
    %dma_wait3A_197 = arith.constant 0 : i32
    %dma_wait3A_198 = arith.constant 448 : i32
    %dma_wait3A_199 = arith.constant 0 : i32
    %dma_wait3A_200 = tpu.memref_slice %arg3[%add3A_97, %add3A_18, %dma_wait3A_198, %dma_wait3A_199] : memref<4x64x1568x128xf32, #tpu.memory_space<hbm>> -> memref<1x1x224x128xf32, #tpu.memory_space<hbm>>
    %dma_wait3A_201 = tpu.memref_squeeze %dma_wait3A_200 : memref<1x1x224x128xf32, #tpu.memory_space<hbm>> -> memref<224x128xf32, #tpu.memory_space<hbm>>
    %dma_wait3A_202 = tpu.memref_slice %arg7[%dma_wait3A_197] : memref<1x!tpu.dma_semaphore, #tpu.memory_space<semaphore_mem>> -> memref<1x!tpu.dma_semaphore, #tpu.memory_space<semaphore_mem>>
    %dma_wait3A_203 = tpu.memref_squeeze %dma_wait3A_202 : memref<1x!tpu.dma_semaphore, #tpu.memory_space<semaphore_mem>> -> memref<!tpu.dma_semaphore, #tpu.memory_space<semaphore_mem>>
    %dma_wait3A_204 = arith.constant 448 : i32
    %dma_wait3A_205 = arith.constant 0 : i32
    %dma_wait3A_206 = tpu.memref_slice %arg3[%add3A_97, %add3A_18, %dma_wait3A_204, %dma_wait3A_205] : memref<4x64x1568x128xf32, #tpu.memory_space<hbm>> -> memref<1x1x224x128xf32, #tpu.memory_space<hbm>>
    %dma_wait3A_207 = tpu.memref_squeeze %dma_wait3A_206 : memref<1x1x224x128xf32, #tpu.memory_space<hbm>> -> memref<224x128xf32, #tpu.memory_space<hbm>>
    tpu.wait_dma2 semaphore(%dma_wait3A_203 : memref<!tpu.dma_semaphore, #tpu.memory_space<semaphore_mem>>) src(%arg4 : memref<224x128xf32, #tpu.memory_space<vmem>>) dst(%dma_wait3A_207 : memref<224x128xf32, #tpu.memory_space<hbm>>)
    %dma_wait3A_208 = arith.constant 0 : i32
    %dma_wait3A_209 = arith.constant 672 : i32
    %dma_wait3A_210 = arith.constant 0 : i32
    %dma_wait3A_211 = tpu.memref_slice %arg3[%add3A_97, %add3A_18, %dma_wait3A_209, %dma_wait3A_210] : memref<4x64x1568x128xf32, #tpu.memory_space<hbm>> -> memref<1x1x224x128xf32, #tpu.memory_space<hbm>>
    %dma_wait3A_212 = tpu.memref_squeeze %dma_wait3A_211 : memref<1x1x224x128xf32, #tpu.memory_space<hbm>> -> memref<224x128xf32, #tpu.memory_space<hbm>>
    %dma_wait3A_213 = tpu.memref_slice %arg7[%dma_wait3A_208] : memref<1x!tpu.dma_semaphore, #tpu.memory_space<semaphore_mem>> -> memref<1x!tpu.dma_semaphore, #tpu.memory_space<semaphore_mem>>
    %dma_wait3A_214 = tpu.memref_squeeze %dma_wait3A_213 : memref<1x!tpu.dma_semaphore, #tpu.memory_space<semaphore_mem>> -> memref<!tpu.dma_semaphore, #tpu.memory_space<semaphore_mem>>
    %dma_wait3A_215 = arith.constant 672 : i32
    %dma_wait3A_216 = arith.constant 0 : i32
    %dma_wait3A_217 = tpu.memref_slice %arg3[%add3A_97, %add3A_18, %dma_wait3A_215, %dma_wait3A_216] : memref<4x64x1568x128xf32, #tpu.memory_space<hbm>> -> memref<1x1x224x128xf32, #tpu.memory_space<hbm>>
    %dma_wait3A_218 = tpu.memref_squeeze %dma_wait3A_217 : memref<1x1x224x128xf32, #tpu.memory_space<hbm>> -> memref<224x128xf32, #tpu.memory_space<hbm>>
    tpu.wait_dma2 semaphore(%dma_wait3A_214 : memref<!tpu.dma_semaphore, #tpu.memory_space<semaphore_mem>>) src(%arg4 : memref<224x128xf32, #tpu.memory_space<vmem>>) dst(%dma_wait3A_218 : memref<224x128xf32, #tpu.memory_space<hbm>>)
    %dma_wait3A_219 = arith.constant 0 : i32
    %dma_wait3A_220 = arith.constant 896 : i32
    %dma_wait3A_221 = arith.constant 0 : i32
    %dma_wait3A_222 = tpu.memref_slice %arg3[%add3A_97, %add3A_18, %dma_wait3A_220, %dma_wait3A_221] : memref<4x64x1568x128xf32, #tpu.memory_space<hbm>> -> memref<1x1x224x128xf32, #tpu.memory_space<hbm>>
    %dma_wait3A_223 = tpu.memref_squeeze %dma_wait3A_222 : memref<1x1x224x128xf32, #tpu.memory_space<hbm>> -> memref<224x128xf32, #tpu.memory_space<hbm>>
    %dma_wait3A_224 = tpu.memref_slice %arg7[%dma_wait3A_219] : memref<1x!tpu.dma_semaphore, #tpu.memory_space<semaphore_mem>> -> memref<1x!tpu.dma_semaphore, #tpu.memory_space<semaphore_mem>>
    %dma_wait3A_225 = tpu.memref_squeeze %dma_wait3A_224 : memref<1x!tpu.dma_semaphore, #tpu.memory_space<semaphore_mem>> -> memref<!tpu.dma_semaphore, #tpu.memory_space<semaphore_mem>>
    %dma_wait3A_226 = arith.constant 896 : i32
    %dma_wait3A_227 = arith.constant 0 : i32
    %dma_wait3A_228 = tpu.memref_slice %arg3[%add3A_97, %add3A_18, %dma_wait3A_226, %dma_wait3A_227] : memref<4x64x1568x128xf32, #tpu.memory_space<hbm>> -> memref<1x1x224x128xf32, #tpu.memory_space<hbm>>
    %dma_wait3A_229 = tpu.memref_squeeze %dma_wait3A_228 : memref<1x1x224x128xf32, #tpu.memory_space<hbm>> -> memref<224x128xf32, #tpu.memory_space<hbm>>
    tpu.wait_dma2 semaphore(%dma_wait3A_225 : memref<!tpu.dma_semaphore, #tpu.memory_space<semaphore_mem>>) src(%arg4 : memref<224x128xf32, #tpu.memory_space<vmem>>) dst(%dma_wait3A_229 : memref<224x128xf32, #tpu.memory_space<hbm>>)
    %dma_wait3A_230 = arith.constant 0 : i32
    %dma_wait3A_231 = arith.constant 1120 : i32
    %dma_wait3A_232 = arith.constant 0 : i32
    %dma_wait3A_233 = tpu.memref_slice %arg3[%add3A_97, %add3A_18, %dma_wait3A_231, %dma_wait3A_232] : memref<4x64x1568x128xf32, #tpu.memory_space<hbm>> -> memref<1x1x224x128xf32, #tpu.memory_space<hbm>>
    %dma_wait3A_234 = tpu.memref_squeeze %dma_wait3A_233 : memref<1x1x224x128xf32, #tpu.memory_space<hbm>> -> memref<224x128xf32, #tpu.memory_space<hbm>>
    %dma_wait3A_235 = tpu.memref_slice %arg7[%dma_wait3A_230] : memref<1x!tpu.dma_semaphore, #tpu.memory_space<semaphore_mem>> -> memref<1x!tpu.dma_semaphore, #tpu.memory_space<semaphore_mem>>
    %dma_wait3A_236 = tpu.memref_squeeze %dma_wait3A_235 : memref<1x!tpu.dma_semaphore, #tpu.memory_space<semaphore_mem>> -> memref<!tpu.dma_semaphore, #tpu.memory_space<semaphore_mem>>
    %dma_wait3A_237 = arith.constant 1120 : i32
    %dma_wait3A_238 = arith.constant 0 : i32
    %dma_wait3A_239 = tpu.memref_slice %arg3[%add3A_97, %add3A_18, %dma_wait3A_237, %dma_wait3A_238] : memref<4x64x1568x128xf32, #tpu.memory_space<hbm>> -> memref<1x1x224x128xf32, #tpu.memory_space<hbm>>
    %dma_wait3A_240 = tpu.memref_squeeze %dma_wait3A_239 : memref<1x1x224x128xf32, #tpu.memory_space<hbm>> -> memref<224x128xf32, #tpu.memory_space<hbm>>
    tpu.wait_dma2 semaphore(%dma_wait3A_236 : memref<!tpu.dma_semaphore, #tpu.memory_space<semaphore_mem>>) src(%arg4 : memref<224x128xf32, #tpu.memory_space<vmem>>) dst(%dma_wait3A_240 : memref<224x128xf32, #tpu.memory_space<hbm>>)
    %dma_wait3A_241 = arith.constant 0 : i32
    %dma_wait3A_242 = arith.constant 1344 : i32
    %dma_wait3A_243 = arith.constant 0 : i32
    %dma_wait3A_244 = tpu.memref_slice %arg3[%add3A_97, %add3A_18, %dma_wait3A_242, %dma_wait3A_243] : memref<4x64x1568x128xf32, #tpu.memory_space<hbm>> -> memref<1x1x224x128xf32, #tpu.memory_space<hbm>>
    %dma_wait3A_245 = tpu.memref_squeeze %dma_wait3A_244 : memref<1x1x224x128xf32, #tpu.memory_space<hbm>> -> memref<224x128xf32, #tpu.memory_space<hbm>>
    %dma_wait3A_246 = tpu.memref_slice %arg7[%dma_wait3A_241] : memref<1x!tpu.dma_semaphore, #tpu.memory_space<semaphore_mem>> -> memref<1x!tpu.dma_semaphore, #tpu.memory_space<semaphore_mem>>
    %dma_wait3A_247 = tpu.memref_squeeze %dma_wait3A_246 : memref<1x!tpu.dma_semaphore, #tpu.memory_space<semaphore_mem>> -> memref<!tpu.dma_semaphore, #tpu.memory_space<semaphore_mem>>
    %dma_wait3A_248 = arith.constant 1344 : i32
    %dma_wait3A_249 = arith.constant 0 : i32
    %dma_wait3A_250 = tpu.memref_slice %arg3[%add3A_97, %add3A_18, %dma_wait3A_248, %dma_wait3A_249] : memref<4x64x1568x128xf32, #tpu.memory_space<hbm>> -> memref<1x1x224x128xf32, #tpu.memory_space<hbm>>
    %dma_wait3A_251 = tpu.memref_squeeze %dma_wait3A_250 : memref<1x1x224x128xf32, #tpu.memory_space<hbm>> -> memref<224x128xf32, #tpu.memory_space<hbm>>
    tpu.wait_dma2 semaphore(%dma_wait3A_247 : memref<!tpu.dma_semaphore, #tpu.memory_space<semaphore_mem>>) src(%arg4 : memref<224x128xf32, #tpu.memory_space<vmem>>) dst(%dma_wait3A_251 : memref<224x128xf32, #tpu.memory_space<hbm>>)
    return
  }
}

module attributes {stable_mosaic.version = 14 : i64} {
  func.func @_tc_fill_kernel(%arg0: memref<128x128xf32, #tpu.memory_space<vmem>>, %arg1: memref<4x64x1568x128xf32, #tpu.memory_space<any>>, %arg2: memref<4x64x1568x128xf32, #tpu.memory_space<any>>, %arg3: memref<8x1568x128xf32, #tpu.memory_space<vmem>>, %arg4: memref<8x1568x128xf32, #tpu.memory_space<vmem>>, %arg5: memref<2x!tpu.dma_semaphore, #tpu.memory_space<semaphore_mem>>) attributes {dimension_semantics = [], scalar_prefetch = 0 : i64, scratch_operands = 3 : i64, tpu.core_type = #tpu.core_type<tc>} {
    %get3A = arith.constant 0 : index
    %get3A_0 = arith.constant 0 : index
    %get3A_1 = vector.load %arg0[%get3A, %get3A_0] : memref<128x128xf32, #tpu.memory_space<vmem>>, vector<8x128xf32>
    %broadcast_in_dim3A = vector.shape_cast %get3A_1 : vector<8x128xf32> to vector<8x1x128xf32>
    %broadcast_in_dim3A_2 = vector.shape_cast %broadcast_in_dim3A : vector<8x1x128xf32> to vector<8x1x128xf32>
    %broadcast_in_dim3A_3 = vector.broadcast %broadcast_in_dim3A_2 : vector<8x1x128xf32> to vector<8x1568x128xf32>
    %swap3A = arith.constant 0 : index
    %swap3A_4 = arith.constant 0 : index
    %swap3A_5 = arith.constant 0 : index
    %swap3A_6 = vector.load %arg3[%swap3A, %swap3A_4, %swap3A_5] : memref<8x1568x128xf32, #tpu.memory_space<vmem>>, vector<8x1568x128xf32>
    tpu.vector_store %arg3[%swap3A, %swap3A_4, %swap3A_5], %broadcast_in_dim3A_3 {strides = array<i32>} : memref<8x1568x128xf32, #tpu.memory_space<vmem>>, vector<8x1568x128xf32>,
    %dma_start3A = arith.constant 0 : i32
    %dma_start3A_7 = arith.constant 0 : i32
    %dma_start3A_8 = tpu.memref_slice %arg5[%dma_start3A_7] : memref<2x!tpu.dma_semaphore, #tpu.memory_space<semaphore_mem>> -> memref<1x!tpu.dma_semaphore, #tpu.memory_space<semaphore_mem>>
    %dma_start3A_9 = tpu.memref_squeeze %dma_start3A_8 : memref<1x!tpu.dma_semaphore, #tpu.memory_space<semaphore_mem>> -> memref<!tpu.dma_semaphore, #tpu.memory_space<semaphore_mem>>
    %dma_start3A_10 = arith.constant 0 : i32
    %dma_start3A_11 = arith.constant 0 : i32
    %dma_start3A_12 = arith.constant 0 : i32
    %dma_start3A_13 = tpu.memref_slice %arg2[%dma_start3A, %dma_start3A_10, %dma_start3A_11, %dma_start3A_12] : memref<4x64x1568x128xf32, #tpu.memory_space<any>> -> memref<1x8x1568x128xf32, #tpu.memory_space<any>>
    %dma_start3A_14 = tpu.memref_squeeze %dma_start3A_13 : memref<1x8x1568x128xf32, #tpu.memory_space<any>> -> memref<8x1568x128xf32, #tpu.memory_space<any>>
    tpu.enqueue_dma source(%arg3 : memref<8x1568x128xf32, #tpu.memory_space<vmem>>) target(%dma_start3A_14 : memref<8x1568x128xf32, #tpu.memory_space<any>>) target_semaphore(%dma_start3A_9 : memref<!tpu.dma_semaphore, #tpu.memory_space<semaphore_mem>>)
    %dma_start3A_15 = arith.constant 1 : i32
    %dma_start3A_16 = arith.constant 0 : i32
    %dma_start3A_17 = tpu.memref_slice %arg5[%dma_start3A_16] : memref<2x!tpu.dma_semaphore, #tpu.memory_space<semaphore_mem>> -> memref<1x!tpu.dma_semaphore, #tpu.memory_space<semaphore_mem>>
    %dma_start3A_18 = tpu.memref_squeeze %dma_start3A_17 : memref<1x!tpu.dma_semaphore, #tpu.memory_space<semaphore_mem>> -> memref<!tpu.dma_semaphore, #tpu.memory_space<semaphore_mem>>
    %dma_start3A_19 = arith.constant 0 : i32
    %dma_start3A_20 = arith.constant 0 : i32
    %dma_start3A_21 = arith.constant 0 : i32
    %dma_start3A_22 = tpu.memref_slice %arg2[%dma_start3A_15, %dma_start3A_19, %dma_start3A_20, %dma_start3A_21] : memref<4x64x1568x128xf32, #tpu.memory_space<any>> -> memref<1x8x1568x128xf32, #tpu.memory_space<any>>
    %dma_start3A_23 = tpu.memref_squeeze %dma_start3A_22 : memref<1x8x1568x128xf32, #tpu.memory_space<any>> -> memref<8x1568x128xf32, #tpu.memory_space<any>>
    tpu.enqueue_dma source(%arg3 : memref<8x1568x128xf32, #tpu.memory_space<vmem>>) target(%dma_start3A_23 : memref<8x1568x128xf32, #tpu.memory_space<any>>) target_semaphore(%dma_start3A_18 : memref<!tpu.dma_semaphore, #tpu.memory_space<semaphore_mem>>)
    %dma_start3A_24 = arith.constant 2 : i32
    %dma_start3A_25 = arith.constant 0 : i32
    %dma_start3A_26 = tpu.memref_slice %arg5[%dma_start3A_25] : memref<2x!tpu.dma_semaphore, #tpu.memory_space<semaphore_mem>> -> memref<1x!tpu.dma_semaphore, #tpu.memory_space<semaphore_mem>>
    %dma_start3A_27 = tpu.memref_squeeze %dma_start3A_26 : memref<1x!tpu.dma_semaphore, #tpu.memory_space<semaphore_mem>> -> memref<!tpu.dma_semaphore, #tpu.memory_space<semaphore_mem>>
    %dma_start3A_28 = arith.constant 0 : i32
    %dma_start3A_29 = arith.constant 0 : i32
    %dma_start3A_30 = arith.constant 0 : i32
    %dma_start3A_31 = tpu.memref_slice %arg2[%dma_start3A_24, %dma_start3A_28, %dma_start3A_29, %dma_start3A_30] : memref<4x64x1568x128xf32, #tpu.memory_space<any>> -> memref<1x8x1568x128xf32, #tpu.memory_space<any>>
    %dma_start3A_32 = tpu.memref_squeeze %dma_start3A_31 : memref<1x8x1568x128xf32, #tpu.memory_space<any>> -> memref<8x1568x128xf32, #tpu.memory_space<any>>
    tpu.enqueue_dma source(%arg3 : memref<8x1568x128xf32, #tpu.memory_space<vmem>>) target(%dma_start3A_32 : memref<8x1568x128xf32, #tpu.memory_space<any>>) target_semaphore(%dma_start3A_27 : memref<!tpu.dma_semaphore, #tpu.memory_space<semaphore_mem>>)
    %dma_start3A_33 = arith.constant 3 : i32
    %dma_start3A_34 = arith.constant 0 : i32
    %dma_start3A_35 = tpu.memref_slice %arg5[%dma_start3A_34] : memref<2x!tpu.dma_semaphore, #tpu.memory_space<semaphore_mem>> -> memref<1x!tpu.dma_semaphore, #tpu.memory_space<semaphore_mem>>
    %dma_start3A_36 = tpu.memref_squeeze %dma_start3A_35 : memref<1x!tpu.dma_semaphore, #tpu.memory_space<semaphore_mem>> -> memref<!tpu.dma_semaphore, #tpu.memory_space<semaphore_mem>>
    %dma_start3A_37 = arith.constant 0 : i32
    %dma_start3A_38 = arith.constant 0 : i32
    %dma_start3A_39 = arith.constant 0 : i32
    %dma_start3A_40 = tpu.memref_slice %arg2[%dma_start3A_33, %dma_start3A_37, %dma_start3A_38, %dma_start3A_39] : memref<4x64x1568x128xf32, #tpu.memory_space<any>> -> memref<1x8x1568x128xf32, #tpu.memory_space<any>>
    %dma_start3A_41 = tpu.memref_squeeze %dma_start3A_40 : memref<1x8x1568x128xf32, #tpu.memory_space<any>> -> memref<8x1568x128xf32, #tpu.memory_space<any>>
    tpu.enqueue_dma source(%arg3 : memref<8x1568x128xf32, #tpu.memory_space<vmem>>) target(%dma_start3A_41 : memref<8x1568x128xf32, #tpu.memory_space<any>>) target_semaphore(%dma_start3A_36 : memref<!tpu.dma_semaphore, #tpu.memory_space<semaphore_mem>>)
    %get3A_42 = arith.constant 8 : index
    %get3A_43 = arith.constant 0 : index
    %get3A_44 = vector.load %arg0[%get3A_42, %get3A_43] : memref<128x128xf32, #tpu.memory_space<vmem>>, vector<8x128xf32>
    %broadcast_in_dim3A_45 = vector.shape_cast %get3A_44 : vector<8x128xf32> to vector<8x1x128xf32>
    %broadcast_in_dim3A_46 = vector.shape_cast %broadcast_in_dim3A_45 : vector<8x1x128xf32> to vector<8x1x128xf32>
    %broadcast_in_dim3A_47 = vector.broadcast %broadcast_in_dim3A_46 : vector<8x1x128xf32> to vector<8x1568x128xf32>
    %swap3A_48 = arith.constant 0 : index
    %swap3A_49 = arith.constant 0 : index
    %swap3A_50 = arith.constant 0 : index
    %swap3A_51 = vector.load %arg4[%swap3A_48, %swap3A_49, %swap3A_50] : memref<8x1568x128xf32, #tpu.memory_space<vmem>>, vector<8x1568x128xf32>
    tpu.vector_store %arg4[%swap3A_48, %swap3A_49, %swap3A_50], %broadcast_in_dim3A_47 {strides = array<i32>} : memref<8x1568x128xf32, #tpu.memory_space<vmem>>, vector<8x1568x128xf32>,
    %dma_start3A_52 = arith.constant 0 : i32
    %dma_start3A_53 = arith.constant 1 : i32
    %dma_start3A_54 = tpu.memref_slice %arg5[%dma_start3A_53] : memref<2x!tpu.dma_semaphore, #tpu.memory_space<semaphore_mem>> -> memref<1x!tpu.dma_semaphore, #tpu.memory_space<semaphore_mem>>
    %dma_start3A_55 = tpu.memref_squeeze %dma_start3A_54 : memref<1x!tpu.dma_semaphore, #tpu.memory_space<semaphore_mem>> -> memref<!tpu.dma_semaphore, #tpu.memory_space<semaphore_mem>>
    %dma_start3A_56 = arith.constant 8 : i32
    %dma_start3A_57 = arith.constant 0 : i32
    %dma_start3A_58 = arith.constant 0 : i32
    %dma_start3A_59 = tpu.memref_slice %arg2[%dma_start3A_52, %dma_start3A_56, %dma_start3A_57, %dma_start3A_58] : memref<4x64x1568x128xf32, #tpu.memory_space<any>> -> memref<1x8x1568x128xf32, #tpu.memory_space<any>>
    %dma_start3A_60 = tpu.memref_squeeze %dma_start3A_59 : memref<1x8x1568x128xf32, #tpu.memory_space<any>> -> memref<8x1568x128xf32, #tpu.memory_space<any>>
    tpu.enqueue_dma source(%arg4 : memref<8x1568x128xf32, #tpu.memory_space<vmem>>) target(%dma_start3A_60 : memref<8x1568x128xf32, #tpu.memory_space<any>>) target_semaphore(%dma_start3A_55 : memref<!tpu.dma_semaphore, #tpu.memory_space<semaphore_mem>>)
    %dma_start3A_61 = arith.constant 1 : i32
    %dma_start3A_62 = arith.constant 1 : i32
    %dma_start3A_63 = tpu.memref_slice %arg5[%dma_start3A_62] : memref<2x!tpu.dma_semaphore, #tpu.memory_space<semaphore_mem>> -> memref<1x!tpu.dma_semaphore, #tpu.memory_space<semaphore_mem>>
    %dma_start3A_64 = tpu.memref_squeeze %dma_start3A_63 : memref<1x!tpu.dma_semaphore, #tpu.memory_space<semaphore_mem>> -> memref<!tpu.dma_semaphore, #tpu.memory_space<semaphore_mem>>
    %dma_start3A_65 = arith.constant 8 : i32
    %dma_start3A_66 = arith.constant 0 : i32
    %dma_start3A_67 = arith.constant 0 : i32
    %dma_start3A_68 = tpu.memref_slice %arg2[%dma_start3A_61, %dma_start3A_65, %dma_start3A_66, %dma_start3A_67] : memref<4x64x1568x128xf32, #tpu.memory_space<any>> -> memref<1x8x1568x128xf32, #tpu.memory_space<any>>
    %dma_start3A_69 = tpu.memref_squeeze %dma_start3A_68 : memref<1x8x1568x128xf32, #tpu.memory_space<any>> -> memref<8x1568x128xf32, #tpu.memory_space<any>>
    tpu.enqueue_dma source(%arg4 : memref<8x1568x128xf32, #tpu.memory_space<vmem>>) target(%dma_start3A_69 : memref<8x1568x128xf32, #tpu.memory_space<any>>) target_semaphore(%dma_start3A_64 : memref<!tpu.dma_semaphore, #tpu.memory_space<semaphore_mem>>)
    %dma_start3A_70 = arith.constant 2 : i32
    %dma_start3A_71 = arith.constant 1 : i32
    %dma_start3A_72 = tpu.memref_slice %arg5[%dma_start3A_71] : memref<2x!tpu.dma_semaphore, #tpu.memory_space<semaphore_mem>> -> memref<1x!tpu.dma_semaphore, #tpu.memory_space<semaphore_mem>>
    %dma_start3A_73 = tpu.memref_squeeze %dma_start3A_72 : memref<1x!tpu.dma_semaphore, #tpu.memory_space<semaphore_mem>> -> memref<!tpu.dma_semaphore, #tpu.memory_space<semaphore_mem>>
    %dma_start3A_74 = arith.constant 8 : i32
    %dma_start3A_75 = arith.constant 0 : i32
    %dma_start3A_76 = arith.constant 0 : i32
    %dma_start3A_77 = tpu.memref_slice %arg2[%dma_start3A_70, %dma_start3A_74, %dma_start3A_75, %dma_start3A_76] : memref<4x64x1568x128xf32, #tpu.memory_space<any>> -> memref<1x8x1568x128xf32, #tpu.memory_space<any>>
    %dma_start3A_78 = tpu.memref_squeeze %dma_start3A_77 : memref<1x8x1568x128xf32, #tpu.memory_space<any>> -> memref<8x1568x128xf32, #tpu.memory_space<any>>
    tpu.enqueue_dma source(%arg4 : memref<8x1568x128xf32, #tpu.memory_space<vmem>>) target(%dma_start3A_78 : memref<8x1568x128xf32, #tpu.memory_space<any>>) target_semaphore(%dma_start3A_73 : memref<!tpu.dma_semaphore, #tpu.memory_space<semaphore_mem>>)
    %dma_start3A_79 = arith.constant 3 : i32
    %dma_start3A_80 = arith.constant 1 : i32
    %dma_start3A_81 = tpu.memref_slice %arg5[%dma_start3A_80] : memref<2x!tpu.dma_semaphore, #tpu.memory_space<semaphore_mem>> -> memref<1x!tpu.dma_semaphore, #tpu.memory_space<semaphore_mem>>
    %dma_start3A_82 = tpu.memref_squeeze %dma_start3A_81 : memref<1x!tpu.dma_semaphore, #tpu.memory_space<semaphore_mem>> -> memref<!tpu.dma_semaphore, #tpu.memory_space<semaphore_mem>>
    %dma_start3A_83 = arith.constant 8 : i32
    %dma_start3A_84 = arith.constant 0 : i32
    %dma_start3A_85 = arith.constant 0 : i32
    %dma_start3A_86 = tpu.memref_slice %arg2[%dma_start3A_79, %dma_start3A_83, %dma_start3A_84, %dma_start3A_85] : memref<4x64x1568x128xf32, #tpu.memory_space<any>> -> memref<1x8x1568x128xf32, #tpu.memory_space<any>>
    %dma_start3A_87 = tpu.memref_squeeze %dma_start3A_86 : memref<1x8x1568x128xf32, #tpu.memory_space<any>> -> memref<8x1568x128xf32, #tpu.memory_space<any>>
    tpu.enqueue_dma source(%arg4 : memref<8x1568x128xf32, #tpu.memory_space<vmem>>) target(%dma_start3A_87 : memref<8x1568x128xf32, #tpu.memory_space<any>>) target_semaphore(%dma_start3A_82 : memref<!tpu.dma_semaphore, #tpu.memory_space<semaphore_mem>>)
    %dma_wait3A = arith.constant 0 : i32
    %dma_wait3A_88 = arith.constant 0 : i32
    %dma_wait3A_89 = tpu.memref_slice %arg5[%dma_wait3A_88] : memref<2x!tpu.dma_semaphore, #tpu.memory_space<semaphore_mem>> -> memref<1x!tpu.dma_semaphore, #tpu.memory_space<semaphore_mem>>
    %dma_wait3A_90 = tpu.memref_squeeze %dma_wait3A_89 : memref<1x!tpu.dma_semaphore, #tpu.memory_space<semaphore_mem>> -> memref<!tpu.dma_semaphore, #tpu.memory_space<semaphore_mem>>
    %dma_wait3A_91 = arith.constant 0 : i32
    %dma_wait3A_92 = arith.constant 0 : i32
    %dma_wait3A_93 = arith.constant 0 : i32
    %dma_wait3A_94 = tpu.memref_slice %arg2[%dma_wait3A, %dma_wait3A_91, %dma_wait3A_92, %dma_wait3A_93] : memref<4x64x1568x128xf32, #tpu.memory_space<any>> -> memref<1x8x1568x128xf32, #tpu.memory_space<any>>
    %dma_wait3A_95 = tpu.memref_squeeze %dma_wait3A_94 : memref<1x8x1568x128xf32, #tpu.memory_space<any>> -> memref<8x1568x128xf32, #tpu.memory_space<any>>
    tpu.wait_dma2 semaphore(%dma_wait3A_90 : memref<!tpu.dma_semaphore, #tpu.memory_space<semaphore_mem>>) src(%arg3 : memref<8x1568x128xf32, #tpu.memory_space<vmem>>) dst(%dma_wait3A_95 : memref<8x1568x128xf32, #tpu.memory_space<any>>)
    %dma_wait3A_96 = arith.constant 1 : i32
    %dma_wait3A_97 = arith.constant 0 : i32
    %dma_wait3A_98 = tpu.memref_slice %arg5[%dma_wait3A_97] : memref<2x!tpu.dma_semaphore, #tpu.memory_space<semaphore_mem>> -> memref<1x!tpu.dma_semaphore, #tpu.memory_space<semaphore_mem>>
    %dma_wait3A_99 = tpu.memref_squeeze %dma_wait3A_98 : memref<1x!tpu.dma_semaphore, #tpu.memory_space<semaphore_mem>> -> memref<!tpu.dma_semaphore, #tpu.memory_space<semaphore_mem>>
    %dma_wait3A_100 = arith.constant 0 : i32
    %dma_wait3A_101 = arith.constant 0 : i32
    %dma_wait3A_102 = arith.constant 0 : i32
    %dma_wait3A_103 = tpu.memref_slice %arg2[%dma_wait3A_96, %dma_wait3A_100, %dma_wait3A_101, %dma_wait3A_102] : memref<4x64x1568x128xf32, #tpu.memory_space<any>> -> memref<1x8x1568x128xf32, #tpu.memory_space<any>>
    %dma_wait3A_104 = tpu.memref_squeeze %dma_wait3A_103 : memref<1x8x1568x128xf32, #tpu.memory_space<any>> -> memref<8x1568x128xf32, #tpu.memory_space<any>>
    tpu.wait_dma2 semaphore(%dma_wait3A_99 : memref<!tpu.dma_semaphore, #tpu.memory_space<semaphore_mem>>) src(%arg3 : memref<8x1568x128xf32, #tpu.memory_space<vmem>>) dst(%dma_wait3A_104 : memref<8x1568x128xf32, #tpu.memory_space<any>>)
    %dma_wait3A_105 = arith.constant 2 : i32
    %dma_wait3A_106 = arith.constant 0 : i32
    %dma_wait3A_107 = tpu.memref_slice %arg5[%dma_wait3A_106] : memref<2x!tpu.dma_semaphore, #tpu.memory_space<semaphore_mem>> -> memref<1x!tpu.dma_semaphore, #tpu.memory_space<semaphore_mem>>
    %dma_wait3A_108 = tpu.memref_squeeze %dma_wait3A_107 : memref<1x!tpu.dma_semaphore, #tpu.memory_space<semaphore_mem>> -> memref<!tpu.dma_semaphore, #tpu.memory_space<semaphore_mem>>
    %dma_wait3A_109 = arith.constant 0 : i32
    %dma_wait3A_110 = arith.constant 0 : i32
    %dma_wait3A_111 = arith.constant 0 : i32
    %dma_wait3A_112 = tpu.memref_slice %arg2[%dma_wait3A_105, %dma_wait3A_109, %dma_wait3A_110, %dma_wait3A_111] : memref<4x64x1568x128xf32, #tpu.memory_space<any>> -> memref<1x8x1568x128xf32, #tpu.memory_space<any>>
    %dma_wait3A_113 = tpu.memref_squeeze %dma_wait3A_112 : memref<1x8x1568x128xf32, #tpu.memory_space<any>> -> memref<8x1568x128xf32, #tpu.memory_space<any>>
    tpu.wait_dma2 semaphore(%dma_wait3A_108 : memref<!tpu.dma_semaphore, #tpu.memory_space<semaphore_mem>>) src(%arg3 : memref<8x1568x128xf32, #tpu.memory_space<vmem>>) dst(%dma_wait3A_113 : memref<8x1568x128xf32, #tpu.memory_space<any>>)
    %dma_wait3A_114 = arith.constant 3 : i32
    %dma_wait3A_115 = arith.constant 0 : i32
    %dma_wait3A_116 = tpu.memref_slice %arg5[%dma_wait3A_115] : memref<2x!tpu.dma_semaphore, #tpu.memory_space<semaphore_mem>> -> memref<1x!tpu.dma_semaphore, #tpu.memory_space<semaphore_mem>>
    %dma_wait3A_117 = tpu.memref_squeeze %dma_wait3A_116 : memref<1x!tpu.dma_semaphore, #tpu.memory_space<semaphore_mem>> -> memref<!tpu.dma_semaphore, #tpu.memory_space<semaphore_mem>>
    %dma_wait3A_118 = arith.constant 0 : i32
    %dma_wait3A_119 = arith.constant 0 : i32
    %dma_wait3A_120 = arith.constant 0 : i32
    %dma_wait3A_121 = tpu.memref_slice %arg2[%dma_wait3A_114, %dma_wait3A_118, %dma_wait3A_119, %dma_wait3A_120] : memref<4x64x1568x128xf32, #tpu.memory_space<any>> -> memref<1x8x1568x128xf32, #tpu.memory_space<any>>
    %dma_wait3A_122 = tpu.memref_squeeze %dma_wait3A_121 : memref<1x8x1568x128xf32, #tpu.memory_space<any>> -> memref<8x1568x128xf32, #tpu.memory_space<any>>
    tpu.wait_dma2 semaphore(%dma_wait3A_117 : memref<!tpu.dma_semaphore, #tpu.memory_space<semaphore_mem>>) src(%arg3 : memref<8x1568x128xf32, #tpu.memory_space<vmem>>) dst(%dma_wait3A_122 : memref<8x1568x128xf32, #tpu.memory_space<any>>)
    %get3A_123 = arith.constant 16 : index
    %get3A_124 = arith.constant 0 : index
    %get3A_125 = vector.load %arg0[%get3A_123, %get3A_124] : memref<128x128xf32, #tpu.memory_space<vmem>>, vector<8x128xf32>
    %broadcast_in_dim3A_126 = vector.shape_cast %get3A_125 : vector<8x128xf32> to vector<8x1x128xf32>
    %broadcast_in_dim3A_127 = vector.shape_cast %broadcast_in_dim3A_126 : vector<8x1x128xf32> to vector<8x1x128xf32>
    %broadcast_in_dim3A_128 = vector.broadcast %broadcast_in_dim3A_127 : vector<8x1x128xf32> to vector<8x1568x128xf32>
    %swap3A_129 = arith.constant 0 : index
    %swap3A_130 = arith.constant 0 : index
    %swap3A_131 = arith.constant 0 : index
    %swap3A_132 = vector.load %arg3[%swap3A_129, %swap3A_130, %swap3A_131] : memref<8x1568x128xf32, #tpu.memory_space<vmem>>, vector<8x1568x128xf32>
    tpu.vector_store %arg3[%swap3A_129, %swap3A_130, %swap3A_131], %broadcast_in_dim3A_128 {strides = array<i32>} : memref<8x1568x128xf32, #tpu.memory_space<vmem>>, vector<8x1568x128xf32>,
    %dma_start3A_133 = arith.constant 0 : i32
    %dma_start3A_134 = arith.constant 0 : i32
    %dma_start3A_135 = tpu.memref_slice %arg5[%dma_start3A_134] : memref<2x!tpu.dma_semaphore, #tpu.memory_space<semaphore_mem>> -> memref<1x!tpu.dma_semaphore, #tpu.memory_space<semaphore_mem>>
    %dma_start3A_136 = tpu.memref_squeeze %dma_start3A_135 : memref<1x!tpu.dma_semaphore, #tpu.memory_space<semaphore_mem>> -> memref<!tpu.dma_semaphore, #tpu.memory_space<semaphore_mem>>
    %dma_start3A_137 = arith.constant 16 : i32
    %dma_start3A_138 = arith.constant 0 : i32
    %dma_start3A_139 = arith.constant 0 : i32
    %dma_start3A_140 = tpu.memref_slice %arg2[%dma_start3A_133, %dma_start3A_137, %dma_start3A_138, %dma_start3A_139] : memref<4x64x1568x128xf32, #tpu.memory_space<any>> -> memref<1x8x1568x128xf32, #tpu.memory_space<any>>
    %dma_start3A_141 = tpu.memref_squeeze %dma_start3A_140 : memref<1x8x1568x128xf32, #tpu.memory_space<any>> -> memref<8x1568x128xf32, #tpu.memory_space<any>>
    tpu.enqueue_dma source(%arg3 : memref<8x1568x128xf32, #tpu.memory_space<vmem>>) target(%dma_start3A_141 : memref<8x1568x128xf32, #tpu.memory_space<any>>) target_semaphore(%dma_start3A_136 : memref<!tpu.dma_semaphore, #tpu.memory_space<semaphore_mem>>)
    %dma_start3A_142 = arith.constant 1 : i32
    %dma_start3A_143 = arith.constant 0 : i32
    %dma_start3A_144 = tpu.memref_slice %arg5[%dma_start3A_143] : memref<2x!tpu.dma_semaphore, #tpu.memory_space<semaphore_mem>> -> memref<1x!tpu.dma_semaphore, #tpu.memory_space<semaphore_mem>>
    %dma_start3A_145 = tpu.memref_squeeze %dma_start3A_144 : memref<1x!tpu.dma_semaphore, #tpu.memory_space<semaphore_mem>> -> memref<!tpu.dma_semaphore, #tpu.memory_space<semaphore_mem>>
    %dma_start3A_146 = arith.constant 16 : i32
    %dma_start3A_147 = arith.constant 0 : i32
    %dma_start3A_148 = arith.constant 0 : i32
    %dma_start3A_149 = tpu.memref_slice %arg2[%dma_start3A_142, %dma_start3A_146, %dma_start3A_147, %dma_start3A_148] : memref<4x64x1568x128xf32, #tpu.memory_space<any>> -> memref<1x8x1568x128xf32, #tpu.memory_space<any>>
    %dma_start3A_150 = tpu.memref_squeeze %dma_start3A_149 : memref<1x8x1568x128xf32, #tpu.memory_space<any>> -> memref<8x1568x128xf32, #tpu.memory_space<any>>
    tpu.enqueue_dma source(%arg3 : memref<8x1568x128xf32, #tpu.memory_space<vmem>>) target(%dma_start3A_150 : memref<8x1568x128xf32, #tpu.memory_space<any>>) target_semaphore(%dma_start3A_145 : memref<!tpu.dma_semaphore, #tpu.memory_space<semaphore_mem>>)
    %dma_start3A_151 = arith.constant 2 : i32
    %dma_start3A_152 = arith.constant 0 : i32
    %dma_start3A_153 = tpu.memref_slice %arg5[%dma_start3A_152] : memref<2x!tpu.dma_semaphore, #tpu.memory_space<semaphore_mem>> -> memref<1x!tpu.dma_semaphore, #tpu.memory_space<semaphore_mem>>
    %dma_start3A_154 = tpu.memref_squeeze %dma_start3A_153 : memref<1x!tpu.dma_semaphore, #tpu.memory_space<semaphore_mem>> -> memref<!tpu.dma_semaphore, #tpu.memory_space<semaphore_mem>>
    %dma_start3A_155 = arith.constant 16 : i32
    %dma_start3A_156 = arith.constant 0 : i32
    %dma_start3A_157 = arith.constant 0 : i32
    %dma_start3A_158 = tpu.memref_slice %arg2[%dma_start3A_151, %dma_start3A_155, %dma_start3A_156, %dma_start3A_157] : memref<4x64x1568x128xf32, #tpu.memory_space<any>> -> memref<1x8x1568x128xf32, #tpu.memory_space<any>>
    %dma_start3A_159 = tpu.memref_squeeze %dma_start3A_158 : memref<1x8x1568x128xf32, #tpu.memory_space<any>> -> memref<8x1568x128xf32, #tpu.memory_space<any>>
    tpu.enqueue_dma source(%arg3 : memref<8x1568x128xf32, #tpu.memory_space<vmem>>) target(%dma_start3A_159 : memref<8x1568x128xf32, #tpu.memory_space<any>>) target_semaphore(%dma_start3A_154 : memref<!tpu.dma_semaphore, #tpu.memory_space<semaphore_mem>>)
    %dma_start3A_160 = arith.constant 3 : i32
    %dma_start3A_161 = arith.constant 0 : i32
    %dma_start3A_162 = tpu.memref_slice %arg5[%dma_start3A_161] : memref<2x!tpu.dma_semaphore, #tpu.memory_space<semaphore_mem>> -> memref<1x!tpu.dma_semaphore, #tpu.memory_space<semaphore_mem>>
    %dma_start3A_163 = tpu.memref_squeeze %dma_start3A_162 : memref<1x!tpu.dma_semaphore, #tpu.memory_space<semaphore_mem>> -> memref<!tpu.dma_semaphore, #tpu.memory_space<semaphore_mem>>
    %dma_start3A_164 = arith.constant 16 : i32
    %dma_start3A_165 = arith.constant 0 : i32
    %dma_start3A_166 = arith.constant 0 : i32
    %dma_start3A_167 = tpu.memref_slice %arg2[%dma_start3A_160, %dma_start3A_164, %dma_start3A_165, %dma_start3A_166] : memref<4x64x1568x128xf32, #tpu.memory_space<any>> -> memref<1x8x1568x128xf32, #tpu.memory_space<any>>
    %dma_start3A_168 = tpu.memref_squeeze %dma_start3A_167 : memref<1x8x1568x128xf32, #tpu.memory_space<any>> -> memref<8x1568x128xf32, #tpu.memory_space<any>>
    tpu.enqueue_dma source(%arg3 : memref<8x1568x128xf32, #tpu.memory_space<vmem>>) target(%dma_start3A_168 : memref<8x1568x128xf32, #tpu.memory_space<any>>) target_semaphore(%dma_start3A_163 : memref<!tpu.dma_semaphore, #tpu.memory_space<semaphore_mem>>)
    %dma_wait3A_169 = arith.constant 0 : i32
    %dma_wait3A_170 = arith.constant 1 : i32
    %dma_wait3A_171 = tpu.memref_slice %arg5[%dma_wait3A_170] : memref<2x!tpu.dma_semaphore, #tpu.memory_space<semaphore_mem>> -> memref<1x!tpu.dma_semaphore, #tpu.memory_space<semaphore_mem>>
    %dma_wait3A_172 = tpu.memref_squeeze %dma_wait3A_171 : memref<1x!tpu.dma_semaphore, #tpu.memory_space<semaphore_mem>> -> memref<!tpu.dma_semaphore, #tpu.memory_space<semaphore_mem>>
    %dma_wait3A_173 = arith.constant 8 : i32
    %dma_wait3A_174 = arith.constant 0 : i32
    %dma_wait3A_175 = arith.constant 0 : i32
    %dma_wait3A_176 = tpu.memref_slice %arg2[%dma_wait3A_169, %dma_wait3A_173, %dma_wait3A_174, %dma_wait3A_175] : memref<4x64x1568x128xf32, #tpu.memory_space<any>> -> memref<1x8x1568x128xf32, #tpu.memory_space<any>>
    %dma_wait3A_177 = tpu.memref_squeeze %dma_wait3A_176 : memref<1x8x1568x128xf32, #tpu.memory_space<any>> -> memref<8x1568x128xf32, #tpu.memory_space<any>>
    tpu.wait_dma2 semaphore(%dma_wait3A_172 : memref<!tpu.dma_semaphore, #tpu.memory_space<semaphore_mem>>) src(%arg4 : memref<8x1568x128xf32, #tpu.memory_space<vmem>>) dst(%dma_wait3A_177 : memref<8x1568x128xf32, #tpu.memory_space<any>>)
    %dma_wait3A_178 = arith.constant 1 : i32
    %dma_wait3A_179 = arith.constant 1 : i32
    %dma_wait3A_180 = tpu.memref_slice %arg5[%dma_wait3A_179] : memref<2x!tpu.dma_semaphore, #tpu.memory_space<semaphore_mem>> -> memref<1x!tpu.dma_semaphore, #tpu.memory_space<semaphore_mem>>
    %dma_wait3A_181 = tpu.memref_squeeze %dma_wait3A_180 : memref<1x!tpu.dma_semaphore, #tpu.memory_space<semaphore_mem>> -> memref<!tpu.dma_semaphore, #tpu.memory_space<semaphore_mem>>
    %dma_wait3A_182 = arith.constant 8 : i32
    %dma_wait3A_183 = arith.constant 0 : i32
    %dma_wait3A_184 = arith.constant 0 : i32
    %dma_wait3A_185 = tpu.memref_slice %arg2[%dma_wait3A_178, %dma_wait3A_182, %dma_wait3A_183, %dma_wait3A_184] : memref<4x64x1568x128xf32, #tpu.memory_space<any>> -> memref<1x8x1568x128xf32, #tpu.memory_space<any>>
    %dma_wait3A_186 = tpu.memref_squeeze %dma_wait3A_185 : memref<1x8x1568x128xf32, #tpu.memory_space<any>> -> memref<8x1568x128xf32, #tpu.memory_space<any>>
    tpu.wait_dma2 semaphore(%dma_wait3A_181 : memref<!tpu.dma_semaphore, #tpu.memory_space<semaphore_mem>>) src(%arg4 : memref<8x1568x128xf32, #tpu.memory_space<vmem>>) dst(%dma_wait3A_186 : memref<8x1568x128xf32, #tpu.memory_space<any>>)
    %dma_wait3A_187 = arith.constant 2 : i32
    %dma_wait3A_188 = arith.constant 1 : i32
    %dma_wait3A_189 = tpu.memref_slice %arg5[%dma_wait3A_188] : memref<2x!tpu.dma_semaphore, #tpu.memory_space<semaphore_mem>> -> memref<1x!tpu.dma_semaphore, #tpu.memory_space<semaphore_mem>>
    %dma_wait3A_190 = tpu.memref_squeeze %dma_wait3A_189 : memref<1x!tpu.dma_semaphore, #tpu.memory_space<semaphore_mem>> -> memref<!tpu.dma_semaphore, #tpu.memory_space<semaphore_mem>>
    %dma_wait3A_191 = arith.constant 8 : i32
    %dma_wait3A_192 = arith.constant 0 : i32
    %dma_wait3A_193 = arith.constant 0 : i32
    %dma_wait3A_194 = tpu.memref_slice %arg2[%dma_wait3A_187, %dma_wait3A_191, %dma_wait3A_192, %dma_wait3A_193] : memref<4x64x1568x128xf32, #tpu.memory_space<any>> -> memref<1x8x1568x128xf32, #tpu.memory_space<any>>
    %dma_wait3A_195 = tpu.memref_squeeze %dma_wait3A_194 : memref<1x8x1568x128xf32, #tpu.memory_space<any>> -> memref<8x1568x128xf32, #tpu.memory_space<any>>
    tpu.wait_dma2 semaphore(%dma_wait3A_190 : memref<!tpu.dma_semaphore, #tpu.memory_space<semaphore_mem>>) src(%arg4 : memref<8x1568x128xf32, #tpu.memory_space<vmem>>) dst(%dma_wait3A_195 : memref<8x1568x128xf32, #tpu.memory_space<any>>)
    %dma_wait3A_196 = arith.constant 3 : i32
    %dma_wait3A_197 = arith.constant 1 : i32
    %dma_wait3A_198 = tpu.memref_slice %arg5[%dma_wait3A_197] : memref<2x!tpu.dma_semaphore, #tpu.memory_space<semaphore_mem>> -> memref<1x!tpu.dma_semaphore, #tpu.memory_space<semaphore_mem>>
    %dma_wait3A_199 = tpu.memref_squeeze %dma_wait3A_198 : memref<1x!tpu.dma_semaphore, #tpu.memory_space<semaphore_mem>> -> memref<!tpu.dma_semaphore, #tpu.memory_space<semaphore_mem>>
    %dma_wait3A_200 = arith.constant 8 : i32
    %dma_wait3A_201 = arith.constant 0 : i32
    %dma_wait3A_202 = arith.constant 0 : i32
    %dma_wait3A_203 = tpu.memref_slice %arg2[%dma_wait3A_196, %dma_wait3A_200, %dma_wait3A_201, %dma_wait3A_202] : memref<4x64x1568x128xf32, #tpu.memory_space<any>> -> memref<1x8x1568x128xf32, #tpu.memory_space<any>>
    %dma_wait3A_204 = tpu.memref_squeeze %dma_wait3A_203 : memref<1x8x1568x128xf32, #tpu.memory_space<any>> -> memref<8x1568x128xf32, #tpu.memory_space<any>>
    tpu.wait_dma2 semaphore(%dma_wait3A_199 : memref<!tpu.dma_semaphore, #tpu.memory_space<semaphore_mem>>) src(%arg4 : memref<8x1568x128xf32, #tpu.memory_space<vmem>>) dst(%dma_wait3A_204 : memref<8x1568x128xf32, #tpu.memory_space<any>>)
    %get3A_205 = arith.constant 24 : index
    %get3A_206 = arith.constant 0 : index
    %get3A_207 = vector.load %arg0[%get3A_205, %get3A_206] : memref<128x128xf32, #tpu.memory_space<vmem>>, vector<8x128xf32>
    %broadcast_in_dim3A_208 = vector.shape_cast %get3A_207 : vector<8x128xf32> to vector<8x1x128xf32>
    %broadcast_in_dim3A_209 = vector.shape_cast %broadcast_in_dim3A_208 : vector<8x1x128xf32> to vector<8x1x128xf32>
    %broadcast_in_dim3A_210 = vector.broadcast %broadcast_in_dim3A_209 : vector<8x1x128xf32> to vector<8x1568x128xf32>
    %swap3A_211 = arith.constant 0 : index
    %swap3A_212 = arith.constant 0 : index
    %swap3A_213 = arith.constant 0 : index
    %swap3A_214 = vector.load %arg4[%swap3A_211, %swap3A_212, %swap3A_213] : memref<8x1568x128xf32, #tpu.memory_space<vmem>>, vector<8x1568x128xf32>
    tpu.vector_store %arg4[%swap3A_211, %swap3A_212, %swap3A_213], %broadcast_in_dim3A_210 {strides = array<i32>} : memref<8x1568x128xf32, #tpu.memory_space<vmem>>, vector<8x1568x128xf32>,
    %dma_start3A_215 = arith.constant 0 : i32
    %dma_start3A_216 = arith.constant 1 : i32
    %dma_start3A_217 = tpu.memref_slice %arg5[%dma_start3A_216] : memref<2x!tpu.dma_semaphore, #tpu.memory_space<semaphore_mem>> -> memref<1x!tpu.dma_semaphore, #tpu.memory_space<semaphore_mem>>
    %dma_start3A_218 = tpu.memref_squeeze %dma_start3A_217 : memref<1x!tpu.dma_semaphore, #tpu.memory_space<semaphore_mem>> -> memref<!tpu.dma_semaphore, #tpu.memory_space<semaphore_mem>>
    %dma_start3A_219 = arith.constant 24 : i32
    %dma_start3A_220 = arith.constant 0 : i32
    %dma_start3A_221 = arith.constant 0 : i32
    %dma_start3A_222 = tpu.memref_slice %arg2[%dma_start3A_215, %dma_start3A_219, %dma_start3A_220, %dma_start3A_221] : memref<4x64x1568x128xf32, #tpu.memory_space<any>> -> memref<1x8x1568x128xf32, #tpu.memory_space<any>>
    %dma_start3A_223 = tpu.memref_squeeze %dma_start3A_222 : memref<1x8x1568x128xf32, #tpu.memory_space<any>> -> memref<8x1568x128xf32, #tpu.memory_space<any>>
    tpu.enqueue_dma source(%arg4 : memref<8x1568x128xf32, #tpu.memory_space<vmem>>) target(%dma_start3A_223 : memref<8x1568x128xf32, #tpu.memory_space<any>>) target_semaphore(%dma_start3A_218 : memref<!tpu.dma_semaphore, #tpu.memory_space<semaphore_mem>>)
    %dma_start3A_224 = arith.constant 1 : i32
    %dma_start3A_225 = arith.constant 1 : i32
    %dma_start3A_226 = tpu.memref_slice %arg5[%dma_start3A_225] : memref<2x!tpu.dma_semaphore, #tpu.memory_space<semaphore_mem>> -> memref<1x!tpu.dma_semaphore, #tpu.memory_space<semaphore_mem>>
    %dma_start3A_227 = tpu.memref_squeeze %dma_start3A_226 : memref<1x!tpu.dma_semaphore, #tpu.memory_space<semaphore_mem>> -> memref<!tpu.dma_semaphore, #tpu.memory_space<semaphore_mem>>
    %dma_start3A_228 = arith.constant 24 : i32
    %dma_start3A_229 = arith.constant 0 : i32
    %dma_start3A_230 = arith.constant 0 : i32
    %dma_start3A_231 = tpu.memref_slice %arg2[%dma_start3A_224, %dma_start3A_228, %dma_start3A_229, %dma_start3A_230] : memref<4x64x1568x128xf32, #tpu.memory_space<any>> -> memref<1x8x1568x128xf32, #tpu.memory_space<any>>
    %dma_start3A_232 = tpu.memref_squeeze %dma_start3A_231 : memref<1x8x1568x128xf32, #tpu.memory_space<any>> -> memref<8x1568x128xf32, #tpu.memory_space<any>>
    tpu.enqueue_dma source(%arg4 : memref<8x1568x128xf32, #tpu.memory_space<vmem>>) target(%dma_start3A_232 : memref<8x1568x128xf32, #tpu.memory_space<any>>) target_semaphore(%dma_start3A_227 : memref<!tpu.dma_semaphore, #tpu.memory_space<semaphore_mem>>)
    %dma_start3A_233 = arith.constant 2 : i32
    %dma_start3A_234 = arith.constant 1 : i32
    %dma_start3A_235 = tpu.memref_slice %arg5[%dma_start3A_234] : memref<2x!tpu.dma_semaphore, #tpu.memory_space<semaphore_mem>> -> memref<1x!tpu.dma_semaphore, #tpu.memory_space<semaphore_mem>>
    %dma_start3A_236 = tpu.memref_squeeze %dma_start3A_235 : memref<1x!tpu.dma_semaphore, #tpu.memory_space<semaphore_mem>> -> memref<!tpu.dma_semaphore, #tpu.memory_space<semaphore_mem>>
    %dma_start3A_237 = arith.constant 24 : i32
    %dma_start3A_238 = arith.constant 0 : i32
    %dma_start3A_239 = arith.constant 0 : i32
    %dma_start3A_240 = tpu.memref_slice %arg2[%dma_start3A_233, %dma_start3A_237, %dma_start3A_238, %dma_start3A_239] : memref<4x64x1568x128xf32, #tpu.memory_space<any>> -> memref<1x8x1568x128xf32, #tpu.memory_space<any>>
    %dma_start3A_241 = tpu.memref_squeeze %dma_start3A_240 : memref<1x8x1568x128xf32, #tpu.memory_space<any>> -> memref<8x1568x128xf32, #tpu.memory_space<any>>
    tpu.enqueue_dma source(%arg4 : memref<8x1568x128xf32, #tpu.memory_space<vmem>>) target(%dma_start3A_241 : memref<8x1568x128xf32, #tpu.memory_space<any>>) target_semaphore(%dma_start3A_236 : memref<!tpu.dma_semaphore, #tpu.memory_space<semaphore_mem>>)
    %dma_start3A_242 = arith.constant 3 : i32
    %dma_start3A_243 = arith.constant 1 : i32
    %dma_start3A_244 = tpu.memref_slice %arg5[%dma_start3A_243] : memref<2x!tpu.dma_semaphore, #tpu.memory_space<semaphore_mem>> -> memref<1x!tpu.dma_semaphore, #tpu.memory_space<semaphore_mem>>
    %dma_start3A_245 = tpu.memref_squeeze %dma_start3A_244 : memref<1x!tpu.dma_semaphore, #tpu.memory_space<semaphore_mem>> -> memref<!tpu.dma_semaphore, #tpu.memory_space<semaphore_mem>>
    %dma_start3A_246 = arith.constant 24 : i32
    %dma_start3A_247 = arith.constant 0 : i32
    %dma_start3A_248 = arith.constant 0 : i32
    %dma_start3A_249 = tpu.memref_slice %arg2[%dma_start3A_242, %dma_start3A_246, %dma_start3A_247, %dma_start3A_248] : memref<4x64x1568x128xf32, #tpu.memory_space<any>> -> memref<1x8x1568x128xf32, #tpu.memory_space<any>>
    %dma_start3A_250 = tpu.memref_squeeze %dma_start3A_249 : memref<1x8x1568x128xf32, #tpu.memory_space<any>> -> memref<8x1568x128xf32, #tpu.memory_space<any>>
    tpu.enqueue_dma source(%arg4 : memref<8x1568x128xf32, #tpu.memory_space<vmem>>) target(%dma_start3A_250 : memref<8x1568x128xf32, #tpu.memory_space<any>>) target_semaphore(%dma_start3A_245 : memref<!tpu.dma_semaphore, #tpu.memory_space<semaphore_mem>>)
    %dma_wait3A_251 = arith.constant 0 : i32
    %dma_wait3A_252 = arith.constant 0 : i32
    %dma_wait3A_253 = tpu.memref_slice %arg5[%dma_wait3A_252] : memref<2x!tpu.dma_semaphore, #tpu.memory_space<semaphore_mem>> -> memref<1x!tpu.dma_semaphore, #tpu.memory_space<semaphore_mem>>
    %dma_wait3A_254 = tpu.memref_squeeze %dma_wait3A_253 : memref<1x!tpu.dma_semaphore, #tpu.memory_space<semaphore_mem>> -> memref<!tpu.dma_semaphore, #tpu.memory_space<semaphore_mem>>
    %dma_wait3A_255 = arith.constant 16 : i32
    %dma_wait3A_256 = arith.constant 0 : i32
    %dma_wait3A_257 = arith.constant 0 : i32
    %dma_wait3A_258 = tpu.memref_slice %arg2[%dma_wait3A_251, %dma_wait3A_255, %dma_wait3A_256, %dma_wait3A_257] : memref<4x64x1568x128xf32, #tpu.memory_space<any>> -> memref<1x8x1568x128xf32, #tpu.memory_space<any>>
    %dma_wait3A_259 = tpu.memref_squeeze %dma_wait3A_258 : memref<1x8x1568x128xf32, #tpu.memory_space<any>> -> memref<8x1568x128xf32, #tpu.memory_space<any>>
    tpu.wait_dma2 semaphore(%dma_wait3A_254 : memref<!tpu.dma_semaphore, #tpu.memory_space<semaphore_mem>>) src(%arg3 : memref<8x1568x128xf32, #tpu.memory_space<vmem>>) dst(%dma_wait3A_259 : memref<8x1568x128xf32, #tpu.memory_space<any>>)
    %dma_wait3A_260 = arith.constant 1 : i32
    %dma_wait3A_261 = arith.constant 0 : i32
    %dma_wait3A_262 = tpu.memref_slice %arg5[%dma_wait3A_261] : memref<2x!tpu.dma_semaphore, #tpu.memory_space<semaphore_mem>> -> memref<1x!tpu.dma_semaphore, #tpu.memory_space<semaphore_mem>>
    %dma_wait3A_263 = tpu.memref_squeeze %dma_wait3A_262 : memref<1x!tpu.dma_semaphore, #tpu.memory_space<semaphore_mem>> -> memref<!tpu.dma_semaphore, #tpu.memory_space<semaphore_mem>>
    %dma_wait3A_264 = arith.constant 16 : i32
    %dma_wait3A_265 = arith.constant 0 : i32
    %dma_wait3A_266 = arith.constant 0 : i32
    %dma_wait3A_267 = tpu.memref_slice %arg2[%dma_wait3A_260, %dma_wait3A_264, %dma_wait3A_265, %dma_wait3A_266] : memref<4x64x1568x128xf32, #tpu.memory_space<any>> -> memref<1x8x1568x128xf32, #tpu.memory_space<any>>
    %dma_wait3A_268 = tpu.memref_squeeze %dma_wait3A_267 : memref<1x8x1568x128xf32, #tpu.memory_space<any>> -> memref<8x1568x128xf32, #tpu.memory_space<any>>
    tpu.wait_dma2 semaphore(%dma_wait3A_263 : memref<!tpu.dma_semaphore, #tpu.memory_space<semaphore_mem>>) src(%arg3 : memref<8x1568x128xf32, #tpu.memory_space<vmem>>) dst(%dma_wait3A_268 : memref<8x1568x128xf32, #tpu.memory_space<any>>)
    %dma_wait3A_269 = arith.constant 2 : i32
    %dma_wait3A_270 = arith.constant 0 : i32
    %dma_wait3A_271 = tpu.memref_slice %arg5[%dma_wait3A_270] : memref<2x!tpu.dma_semaphore, #tpu.memory_space<semaphore_mem>> -> memref<1x!tpu.dma_semaphore, #tpu.memory_space<semaphore_mem>>
    %dma_wait3A_272 = tpu.memref_squeeze %dma_wait3A_271 : memref<1x!tpu.dma_semaphore, #tpu.memory_space<semaphore_mem>> -> memref<!tpu.dma_semaphore, #tpu.memory_space<semaphore_mem>>
    %dma_wait3A_273 = arith.constant 16 : i32
    %dma_wait3A_274 = arith.constant 0 : i32
    %dma_wait3A_275 = arith.constant 0 : i32
    %dma_wait3A_276 = tpu.memref_slice %arg2[%dma_wait3A_269, %dma_wait3A_273, %dma_wait3A_274, %dma_wait3A_275] : memref<4x64x1568x128xf32, #tpu.memory_space<any>> -> memref<1x8x1568x128xf32, #tpu.memory_space<any>>
    %dma_wait3A_277 = tpu.memref_squeeze %dma_wait3A_276 : memref<1x8x1568x128xf32, #tpu.memory_space<any>> -> memref<8x1568x128xf32, #tpu.memory_space<any>>
    tpu.wait_dma2 semaphore(%dma_wait3A_272 : memref<!tpu.dma_semaphore, #tpu.memory_space<semaphore_mem>>) src(%arg3 : memref<8x1568x128xf32, #tpu.memory_space<vmem>>) dst(%dma_wait3A_277 : memref<8x1568x128xf32, #tpu.memory_space<any>>)
    %dma_wait3A_278 = arith.constant 3 : i32
    %dma_wait3A_279 = arith.constant 0 : i32
    %dma_wait3A_280 = tpu.memref_slice %arg5[%dma_wait3A_279] : memref<2x!tpu.dma_semaphore, #tpu.memory_space<semaphore_mem>> -> memref<1x!tpu.dma_semaphore, #tpu.memory_space<semaphore_mem>>
    %dma_wait3A_281 = tpu.memref_squeeze %dma_wait3A_280 : memref<1x!tpu.dma_semaphore, #tpu.memory_space<semaphore_mem>> -> memref<!tpu.dma_semaphore, #tpu.memory_space<semaphore_mem>>
    %dma_wait3A_282 = arith.constant 16 : i32
    %dma_wait3A_283 = arith.constant 0 : i32
    %dma_wait3A_284 = arith.constant 0 : i32
    %dma_wait3A_285 = tpu.memref_slice %arg2[%dma_wait3A_278, %dma_wait3A_282, %dma_wait3A_283, %dma_wait3A_284] : memref<4x64x1568x128xf32, #tpu.memory_space<any>> -> memref<1x8x1568x128xf32, #tpu.memory_space<any>>
    %dma_wait3A_286 = tpu.memref_squeeze %dma_wait3A_285 : memref<1x8x1568x128xf32, #tpu.memory_space<any>> -> memref<8x1568x128xf32, #tpu.memory_space<any>>
    tpu.wait_dma2 semaphore(%dma_wait3A_281 : memref<!tpu.dma_semaphore, #tpu.memory_space<semaphore_mem>>) src(%arg3 : memref<8x1568x128xf32, #tpu.memory_space<vmem>>) dst(%dma_wait3A_286 : memref<8x1568x128xf32, #tpu.memory_space<any>>)
    %get3A_287 = arith.constant 32 : index
    %get3A_288 = arith.constant 0 : index
    %get3A_289 = vector.load %arg0[%get3A_287, %get3A_288] : memref<128x128xf32, #tpu.memory_space<vmem>>, vector<8x128xf32>
    %broadcast_in_dim3A_290 = vector.shape_cast %get3A_289 : vector<8x128xf32> to vector<8x1x128xf32>
    %broadcast_in_dim3A_291 = vector.shape_cast %broadcast_in_dim3A_290 : vector<8x1x128xf32> to vector<8x1x128xf32>
    %broadcast_in_dim3A_292 = vector.broadcast %broadcast_in_dim3A_291 : vector<8x1x128xf32> to vector<8x1568x128xf32>
    %swap3A_293 = arith.constant 0 : index
    %swap3A_294 = arith.constant 0 : index
    %swap3A_295 = arith.constant 0 : index
    %swap3A_296 = vector.load %arg3[%swap3A_293, %swap3A_294, %swap3A_295] : memref<8x1568x128xf32, #tpu.memory_space<vmem>>, vector<8x1568x128xf32>
    tpu.vector_store %arg3[%swap3A_293, %swap3A_294, %swap3A_295], %broadcast_in_dim3A_292 {strides = array<i32>} : memref<8x1568x128xf32, #tpu.memory_space<vmem>>, vector<8x1568x128xf32>,
    %dma_start3A_297 = arith.constant 0 : i32
    %dma_start3A_298 = arith.constant 0 : i32
    %dma_start3A_299 = tpu.memref_slice %arg5[%dma_start3A_298] : memref<2x!tpu.dma_semaphore, #tpu.memory_space<semaphore_mem>> -> memref<1x!tpu.dma_semaphore, #tpu.memory_space<semaphore_mem>>
    %dma_start3A_300 = tpu.memref_squeeze %dma_start3A_299 : memref<1x!tpu.dma_semaphore, #tpu.memory_space<semaphore_mem>> -> memref<!tpu.dma_semaphore, #tpu.memory_space<semaphore_mem>>
    %dma_start3A_301 = arith.constant 32 : i32
    %dma_start3A_302 = arith.constant 0 : i32
    %dma_start3A_303 = arith.constant 0 : i32
    %dma_start3A_304 = tpu.memref_slice %arg2[%dma_start3A_297, %dma_start3A_301, %dma_start3A_302, %dma_start3A_303] : memref<4x64x1568x128xf32, #tpu.memory_space<any>> -> memref<1x8x1568x128xf32, #tpu.memory_space<any>>
    %dma_start3A_305 = tpu.memref_squeeze %dma_start3A_304 : memref<1x8x1568x128xf32, #tpu.memory_space<any>> -> memref<8x1568x128xf32, #tpu.memory_space<any>>
    tpu.enqueue_dma source(%arg3 : memref<8x1568x128xf32, #tpu.memory_space<vmem>>) target(%dma_start3A_305 : memref<8x1568x128xf32, #tpu.memory_space<any>>) target_semaphore(%dma_start3A_300 : memref<!tpu.dma_semaphore, #tpu.memory_space<semaphore_mem>>)
    %dma_start3A_306 = arith.constant 1 : i32
    %dma_start3A_307 = arith.constant 0 : i32
    %dma_start3A_308 = tpu.memref_slice %arg5[%dma_start3A_307] : memref<2x!tpu.dma_semaphore, #tpu.memory_space<semaphore_mem>> -> memref<1x!tpu.dma_semaphore, #tpu.memory_space<semaphore_mem>>
    %dma_start3A_309 = tpu.memref_squeeze %dma_start3A_308 : memref<1x!tpu.dma_semaphore, #tpu.memory_space<semaphore_mem>> -> memref<!tpu.dma_semaphore, #tpu.memory_space<semaphore_mem>>
    %dma_start3A_310 = arith.constant 32 : i32
    %dma_start3A_311 = arith.constant 0 : i32
    %dma_start3A_312 = arith.constant 0 : i32
    %dma_start3A_313 = tpu.memref_slice %arg2[%dma_start3A_306, %dma_start3A_310, %dma_start3A_311, %dma_start3A_312] : memref<4x64x1568x128xf32, #tpu.memory_space<any>> -> memref<1x8x1568x128xf32, #tpu.memory_space<any>>
    %dma_start3A_314 = tpu.memref_squeeze %dma_start3A_313 : memref<1x8x1568x128xf32, #tpu.memory_space<any>> -> memref<8x1568x128xf32, #tpu.memory_space<any>>
    tpu.enqueue_dma source(%arg3 : memref<8x1568x128xf32, #tpu.memory_space<vmem>>) target(%dma_start3A_314 : memref<8x1568x128xf32, #tpu.memory_space<any>>) target_semaphore(%dma_start3A_309 : memref<!tpu.dma_semaphore, #tpu.memory_space<semaphore_mem>>)
    %dma_start3A_315 = arith.constant 2 : i32
    %dma_start3A_316 = arith.constant 0 : i32
    %dma_start3A_317 = tpu.memref_slice %arg5[%dma_start3A_316] : memref<2x!tpu.dma_semaphore, #tpu.memory_space<semaphore_mem>> -> memref<1x!tpu.dma_semaphore, #tpu.memory_space<semaphore_mem>>
    %dma_start3A_318 = tpu.memref_squeeze %dma_start3A_317 : memref<1x!tpu.dma_semaphore, #tpu.memory_space<semaphore_mem>> -> memref<!tpu.dma_semaphore, #tpu.memory_space<semaphore_mem>>
    %dma_start3A_319 = arith.constant 32 : i32
    %dma_start3A_320 = arith.constant 0 : i32
    %dma_start3A_321 = arith.constant 0 : i32
    %dma_start3A_322 = tpu.memref_slice %arg2[%dma_start3A_315, %dma_start3A_319, %dma_start3A_320, %dma_start3A_321] : memref<4x64x1568x128xf32, #tpu.memory_space<any>> -> memref<1x8x1568x128xf32, #tpu.memory_space<any>>
    %dma_start3A_323 = tpu.memref_squeeze %dma_start3A_322 : memref<1x8x1568x128xf32, #tpu.memory_space<any>> -> memref<8x1568x128xf32, #tpu.memory_space<any>>
    tpu.enqueue_dma source(%arg3 : memref<8x1568x128xf32, #tpu.memory_space<vmem>>) target(%dma_start3A_323 : memref<8x1568x128xf32, #tpu.memory_space<any>>) target_semaphore(%dma_start3A_318 : memref<!tpu.dma_semaphore, #tpu.memory_space<semaphore_mem>>)
    %dma_start3A_324 = arith.constant 3 : i32
    %dma_start3A_325 = arith.constant 0 : i32
    %dma_start3A_326 = tpu.memref_slice %arg5[%dma_start3A_325] : memref<2x!tpu.dma_semaphore, #tpu.memory_space<semaphore_mem>> -> memref<1x!tpu.dma_semaphore, #tpu.memory_space<semaphore_mem>>
    %dma_start3A_327 = tpu.memref_squeeze %dma_start3A_326 : memref<1x!tpu.dma_semaphore, #tpu.memory_space<semaphore_mem>> -> memref<!tpu.dma_semaphore, #tpu.memory_space<semaphore_mem>>
    %dma_start3A_328 = arith.constant 32 : i32
    %dma_start3A_329 = arith.constant 0 : i32
    %dma_start3A_330 = arith.constant 0 : i32
    %dma_start3A_331 = tpu.memref_slice %arg2[%dma_start3A_324, %dma_start3A_328, %dma_start3A_329, %dma_start3A_330] : memref<4x64x1568x128xf32, #tpu.memory_space<any>> -> memref<1x8x1568x128xf32, #tpu.memory_space<any>>
    %dma_start3A_332 = tpu.memref_squeeze %dma_start3A_331 : memref<1x8x1568x128xf32, #tpu.memory_space<any>> -> memref<8x1568x128xf32, #tpu.memory_space<any>>
    tpu.enqueue_dma source(%arg3 : memref<8x1568x128xf32, #tpu.memory_space<vmem>>) target(%dma_start3A_332 : memref<8x1568x128xf32, #tpu.memory_space<any>>) target_semaphore(%dma_start3A_327 : memref<!tpu.dma_semaphore, #tpu.memory_space<semaphore_mem>>)
    %dma_wait3A_333 = arith.constant 0 : i32
    %dma_wait3A_334 = arith.constant 1 : i32
    %dma_wait3A_335 = tpu.memref_slice %arg5[%dma_wait3A_334] : memref<2x!tpu.dma_semaphore, #tpu.memory_space<semaphore_mem>> -> memref<1x!tpu.dma_semaphore, #tpu.memory_space<semaphore_mem>>
    %dma_wait3A_336 = tpu.memref_squeeze %dma_wait3A_335 : memref<1x!tpu.dma_semaphore, #tpu.memory_space<semaphore_mem>> -> memref<!tpu.dma_semaphore, #tpu.memory_space<semaphore_mem>>
    %dma_wait3A_337 = arith.constant 24 : i32
    %dma_wait3A_338 = arith.constant 0 : i32
    %dma_wait3A_339 = arith.constant 0 : i32
    %dma_wait3A_340 = tpu.memref_slice %arg2[%dma_wait3A_333, %dma_wait3A_337, %dma_wait3A_338, %dma_wait3A_339] : memref<4x64x1568x128xf32, #tpu.memory_space<any>> -> memref<1x8x1568x128xf32, #tpu.memory_space<any>>
    %dma_wait3A_341 = tpu.memref_squeeze %dma_wait3A_340 : memref<1x8x1568x128xf32, #tpu.memory_space<any>> -> memref<8x1568x128xf32, #tpu.memory_space<any>>
    tpu.wait_dma2 semaphore(%dma_wait3A_336 : memref<!tpu.dma_semaphore, #tpu.memory_space<semaphore_mem>>) src(%arg4 : memref<8x1568x128xf32, #tpu.memory_space<vmem>>) dst(%dma_wait3A_341 : memref<8x1568x128xf32, #tpu.memory_space<any>>)
    %dma_wait3A_342 = arith.constant 1 : i32
    %dma_wait3A_343 = arith.constant 1 : i32
    %dma_wait3A_344 = tpu.memref_slice %arg5[%dma_wait3A_343] : memref<2x!tpu.dma_semaphore, #tpu.memory_space<semaphore_mem>> -> memref<1x!tpu.dma_semaphore, #tpu.memory_space<semaphore_mem>>
    %dma_wait3A_345 = tpu.memref_squeeze %dma_wait3A_344 : memref<1x!tpu.dma_semaphore, #tpu.memory_space<semaphore_mem>> -> memref<!tpu.dma_semaphore, #tpu.memory_space<semaphore_mem>>
    %dma_wait3A_346 = arith.constant 24 : i32
    %dma_wait3A_347 = arith.constant 0 : i32
    %dma_wait3A_348 = arith.constant 0 : i32
    %dma_wait3A_349 = tpu.memref_slice %arg2[%dma_wait3A_342, %dma_wait3A_346, %dma_wait3A_347, %dma_wait3A_348] : memref<4x64x1568x128xf32, #tpu.memory_space<any>> -> memref<1x8x1568x128xf32, #tpu.memory_space<any>>
    %dma_wait3A_350 = tpu.memref_squeeze %dma_wait3A_349 : memref<1x8x1568x128xf32, #tpu.memory_space<any>> -> memref<8x1568x128xf32, #tpu.memory_space<any>>
    tpu.wait_dma2 semaphore(%dma_wait3A_345 : memref<!tpu.dma_semaphore, #tpu.memory_space<semaphore_mem>>) src(%arg4 : memref<8x1568x128xf32, #tpu.memory_space<vmem>>) dst(%dma_wait3A_350 : memref<8x1568x128xf32, #tpu.memory_space<any>>)
    %dma_wait3A_351 = arith.constant 2 : i32
    %dma_wait3A_352 = arith.constant 1 : i32
    %dma_wait3A_353 = tpu.memref_slice %arg5[%dma_wait3A_352] : memref<2x!tpu.dma_semaphore, #tpu.memory_space<semaphore_mem>> -> memref<1x!tpu.dma_semaphore, #tpu.memory_space<semaphore_mem>>
    %dma_wait3A_354 = tpu.memref_squeeze %dma_wait3A_353 : memref<1x!tpu.dma_semaphore, #tpu.memory_space<semaphore_mem>> -> memref<!tpu.dma_semaphore, #tpu.memory_space<semaphore_mem>>
    %dma_wait3A_355 = arith.constant 24 : i32
    %dma_wait3A_356 = arith.constant 0 : i32
    %dma_wait3A_357 = arith.constant 0 : i32
    %dma_wait3A_358 = tpu.memref_slice %arg2[%dma_wait3A_351, %dma_wait3A_355, %dma_wait3A_356, %dma_wait3A_357] : memref<4x64x1568x128xf32, #tpu.memory_space<any>> -> memref<1x8x1568x128xf32, #tpu.memory_space<any>>
    %dma_wait3A_359 = tpu.memref_squeeze %dma_wait3A_358 : memref<1x8x1568x128xf32, #tpu.memory_space<any>> -> memref<8x1568x128xf32, #tpu.memory_space<any>>
    tpu.wait_dma2 semaphore(%dma_wait3A_354 : memref<!tpu.dma_semaphore, #tpu.memory_space<semaphore_mem>>) src(%arg4 : memref<8x1568x128xf32, #tpu.memory_space<vmem>>) dst(%dma_wait3A_359 : memref<8x1568x128xf32, #tpu.memory_space<any>>)
    %dma_wait3A_360 = arith.constant 3 : i32
    %dma_wait3A_361 = arith.constant 1 : i32
    %dma_wait3A_362 = tpu.memref_slice %arg5[%dma_wait3A_361] : memref<2x!tpu.dma_semaphore, #tpu.memory_space<semaphore_mem>> -> memref<1x!tpu.dma_semaphore, #tpu.memory_space<semaphore_mem>>
    %dma_wait3A_363 = tpu.memref_squeeze %dma_wait3A_362 : memref<1x!tpu.dma_semaphore, #tpu.memory_space<semaphore_mem>> -> memref<!tpu.dma_semaphore, #tpu.memory_space<semaphore_mem>>
    %dma_wait3A_364 = arith.constant 24 : i32
    %dma_wait3A_365 = arith.constant 0 : i32
    %dma_wait3A_366 = arith.constant 0 : i32
    %dma_wait3A_367 = tpu.memref_slice %arg2[%dma_wait3A_360, %dma_wait3A_364, %dma_wait3A_365, %dma_wait3A_366] : memref<4x64x1568x128xf32, #tpu.memory_space<any>> -> memref<1x8x1568x128xf32, #tpu.memory_space<any>>
    %dma_wait3A_368 = tpu.memref_squeeze %dma_wait3A_367 : memref<1x8x1568x128xf32, #tpu.memory_space<any>> -> memref<8x1568x128xf32, #tpu.memory_space<any>>
    tpu.wait_dma2 semaphore(%dma_wait3A_363 : memref<!tpu.dma_semaphore, #tpu.memory_space<semaphore_mem>>) src(%arg4 : memref<8x1568x128xf32, #tpu.memory_space<vmem>>) dst(%dma_wait3A_368 : memref<8x1568x128xf32, #tpu.memory_space<any>>)
    %get3A_369 = arith.constant 40 : index
    %get3A_370 = arith.constant 0 : index
    %get3A_371 = vector.load %arg0[%get3A_369, %get3A_370] : memref<128x128xf32, #tpu.memory_space<vmem>>, vector<8x128xf32>
    %broadcast_in_dim3A_372 = vector.shape_cast %get3A_371 : vector<8x128xf32> to vector<8x1x128xf32>
    %broadcast_in_dim3A_373 = vector.shape_cast %broadcast_in_dim3A_372 : vector<8x1x128xf32> to vector<8x1x128xf32>
    %broadcast_in_dim3A_374 = vector.broadcast %broadcast_in_dim3A_373 : vector<8x1x128xf32> to vector<8x1568x128xf32>
    %swap3A_375 = arith.constant 0 : index
    %swap3A_376 = arith.constant 0 : index
    %swap3A_377 = arith.constant 0 : index
    %swap3A_378 = vector.load %arg4[%swap3A_375, %swap3A_376, %swap3A_377] : memref<8x1568x128xf32, #tpu.memory_space<vmem>>, vector<8x1568x128xf32>
    tpu.vector_store %arg4[%swap3A_375, %swap3A_376, %swap3A_377], %broadcast_in_dim3A_374 {strides = array<i32>} : memref<8x1568x128xf32, #tpu.memory_space<vmem>>, vector<8x1568x128xf32>,
    %dma_start3A_379 = arith.constant 0 : i32
    %dma_start3A_380 = arith.constant 1 : i32
    %dma_start3A_381 = tpu.memref_slice %arg5[%dma_start3A_380] : memref<2x!tpu.dma_semaphore, #tpu.memory_space<semaphore_mem>> -> memref<1x!tpu.dma_semaphore, #tpu.memory_space<semaphore_mem>>
    %dma_start3A_382 = tpu.memref_squeeze %dma_start3A_381 : memref<1x!tpu.dma_semaphore, #tpu.memory_space<semaphore_mem>> -> memref<!tpu.dma_semaphore, #tpu.memory_space<semaphore_mem>>
    %dma_start3A_383 = arith.constant 40 : i32
    %dma_start3A_384 = arith.constant 0 : i32
    %dma_start3A_385 = arith.constant 0 : i32
    %dma_start3A_386 = tpu.memref_slice %arg2[%dma_start3A_379, %dma_start3A_383, %dma_start3A_384, %dma_start3A_385] : memref<4x64x1568x128xf32, #tpu.memory_space<any>> -> memref<1x8x1568x128xf32, #tpu.memory_space<any>>
    %dma_start3A_387 = tpu.memref_squeeze %dma_start3A_386 : memref<1x8x1568x128xf32, #tpu.memory_space<any>> -> memref<8x1568x128xf32, #tpu.memory_space<any>>
    tpu.enqueue_dma source(%arg4 : memref<8x1568x128xf32, #tpu.memory_space<vmem>>) target(%dma_start3A_387 : memref<8x1568x128xf32, #tpu.memory_space<any>>) target_semaphore(%dma_start3A_382 : memref<!tpu.dma_semaphore, #tpu.memory_space<semaphore_mem>>)
    %dma_start3A_388 = arith.constant 1 : i32
    %dma_start3A_389 = arith.constant 1 : i32
    %dma_start3A_390 = tpu.memref_slice %arg5[%dma_start3A_389] : memref<2x!tpu.dma_semaphore, #tpu.memory_space<semaphore_mem>> -> memref<1x!tpu.dma_semaphore, #tpu.memory_space<semaphore_mem>>
    %dma_start3A_391 = tpu.memref_squeeze %dma_start3A_390 : memref<1x!tpu.dma_semaphore, #tpu.memory_space<semaphore_mem>> -> memref<!tpu.dma_semaphore, #tpu.memory_space<semaphore_mem>>
    %dma_start3A_392 = arith.constant 40 : i32
    %dma_start3A_393 = arith.constant 0 : i32
    %dma_start3A_394 = arith.constant 0 : i32
    %dma_start3A_395 = tpu.memref_slice %arg2[%dma_start3A_388, %dma_start3A_392, %dma_start3A_393, %dma_start3A_394] : memref<4x64x1568x128xf32, #tpu.memory_space<any>> -> memref<1x8x1568x128xf32, #tpu.memory_space<any>>
    %dma_start3A_396 = tpu.memref_squeeze %dma_start3A_395 : memref<1x8x1568x128xf32, #tpu.memory_space<any>> -> memref<8x1568x128xf32, #tpu.memory_space<any>>
    tpu.enqueue_dma source(%arg4 : memref<8x1568x128xf32, #tpu.memory_space<vmem>>) target(%dma_start3A_396 : memref<8x1568x128xf32, #tpu.memory_space<any>>) target_semaphore(%dma_start3A_391 : memref<!tpu.dma_semaphore, #tpu.memory_space<semaphore_mem>>)
    %dma_start3A_397 = arith.constant 2 : i32
    %dma_start3A_398 = arith.constant 1 : i32
    %dma_start3A_399 = tpu.memref_slice %arg5[%dma_start3A_398] : memref<2x!tpu.dma_semaphore, #tpu.memory_space<semaphore_mem>> -> memref<1x!tpu.dma_semaphore, #tpu.memory_space<semaphore_mem>>
    %dma_start3A_400 = tpu.memref_squeeze %dma_start3A_399 : memref<1x!tpu.dma_semaphore, #tpu.memory_space<semaphore_mem>> -> memref<!tpu.dma_semaphore, #tpu.memory_space<semaphore_mem>>
    %dma_start3A_401 = arith.constant 40 : i32
    %dma_start3A_402 = arith.constant 0 : i32
    %dma_start3A_403 = arith.constant 0 : i32
    %dma_start3A_404 = tpu.memref_slice %arg2[%dma_start3A_397, %dma_start3A_401, %dma_start3A_402, %dma_start3A_403] : memref<4x64x1568x128xf32, #tpu.memory_space<any>> -> memref<1x8x1568x128xf32, #tpu.memory_space<any>>
    %dma_start3A_405 = tpu.memref_squeeze %dma_start3A_404 : memref<1x8x1568x128xf32, #tpu.memory_space<any>> -> memref<8x1568x128xf32, #tpu.memory_space<any>>
    tpu.enqueue_dma source(%arg4 : memref<8x1568x128xf32, #tpu.memory_space<vmem>>) target(%dma_start3A_405 : memref<8x1568x128xf32, #tpu.memory_space<any>>) target_semaphore(%dma_start3A_400 : memref<!tpu.dma_semaphore, #tpu.memory_space<semaphore_mem>>)
    %dma_start3A_406 = arith.constant 3 : i32
    %dma_start3A_407 = arith.constant 1 : i32
    %dma_start3A_408 = tpu.memref_slice %arg5[%dma_start3A_407] : memref<2x!tpu.dma_semaphore, #tpu.memory_space<semaphore_mem>> -> memref<1x!tpu.dma_semaphore, #tpu.memory_space<semaphore_mem>>
    %dma_start3A_409 = tpu.memref_squeeze %dma_start3A_408 : memref<1x!tpu.dma_semaphore, #tpu.memory_space<semaphore_mem>> -> memref<!tpu.dma_semaphore, #tpu.memory_space<semaphore_mem>>
    %dma_start3A_410 = arith.constant 40 : i32
    %dma_start3A_411 = arith.constant 0 : i32
    %dma_start3A_412 = arith.constant 0 : i32
    %dma_start3A_413 = tpu.memref_slice %arg2[%dma_start3A_406, %dma_start3A_410, %dma_start3A_411, %dma_start3A_412] : memref<4x64x1568x128xf32, #tpu.memory_space<any>> -> memref<1x8x1568x128xf32, #tpu.memory_space<any>>
    %dma_start3A_414 = tpu.memref_squeeze %dma_start3A_413 : memref<1x8x1568x128xf32, #tpu.memory_space<any>> -> memref<8x1568x128xf32, #tpu.memory_space<any>>
    tpu.enqueue_dma source(%arg4 : memref<8x1568x128xf32, #tpu.memory_space<vmem>>) target(%dma_start3A_414 : memref<8x1568x128xf32, #tpu.memory_space<any>>) target_semaphore(%dma_start3A_409 : memref<!tpu.dma_semaphore, #tpu.memory_space<semaphore_mem>>)
    %dma_wait3A_415 = arith.constant 0 : i32
    %dma_wait3A_416 = arith.constant 0 : i32
    %dma_wait3A_417 = tpu.memref_slice %arg5[%dma_wait3A_416] : memref<2x!tpu.dma_semaphore, #tpu.memory_space<semaphore_mem>> -> memref<1x!tpu.dma_semaphore, #tpu.memory_space<semaphore_mem>>
    %dma_wait3A_418 = tpu.memref_squeeze %dma_wait3A_417 : memref<1x!tpu.dma_semaphore, #tpu.memory_space<semaphore_mem>> -> memref<!tpu.dma_semaphore, #tpu.memory_space<semaphore_mem>>
    %dma_wait3A_419 = arith.constant 32 : i32
    %dma_wait3A_420 = arith.constant 0 : i32
    %dma_wait3A_421 = arith.constant 0 : i32
    %dma_wait3A_422 = tpu.memref_slice %arg2[%dma_wait3A_415, %dma_wait3A_419, %dma_wait3A_420, %dma_wait3A_421] : memref<4x64x1568x128xf32, #tpu.memory_space<any>> -> memref<1x8x1568x128xf32, #tpu.memory_space<any>>
    %dma_wait3A_423 = tpu.memref_squeeze %dma_wait3A_422 : memref<1x8x1568x128xf32, #tpu.memory_space<any>> -> memref<8x1568x128xf32, #tpu.memory_space<any>>
    tpu.wait_dma2 semaphore(%dma_wait3A_418 : memref<!tpu.dma_semaphore, #tpu.memory_space<semaphore_mem>>) src(%arg3 : memref<8x1568x128xf32, #tpu.memory_space<vmem>>) dst(%dma_wait3A_423 : memref<8x1568x128xf32, #tpu.memory_space<any>>)
    %dma_wait3A_424 = arith.constant 1 : i32
    %dma_wait3A_425 = arith.constant 0 : i32
    %dma_wait3A_426 = tpu.memref_slice %arg5[%dma_wait3A_425] : memref<2x!tpu.dma_semaphore, #tpu.memory_space<semaphore_mem>> -> memref<1x!tpu.dma_semaphore, #tpu.memory_space<semaphore_mem>>
    %dma_wait3A_427 = tpu.memref_squeeze %dma_wait3A_426 : memref<1x!tpu.dma_semaphore, #tpu.memory_space<semaphore_mem>> -> memref<!tpu.dma_semaphore, #tpu.memory_space<semaphore_mem>>
    %dma_wait3A_428 = arith.constant 32 : i32
    %dma_wait3A_429 = arith.constant 0 : i32
    %dma_wait3A_430 = arith.constant 0 : i32
    %dma_wait3A_431 = tpu.memref_slice %arg2[%dma_wait3A_424, %dma_wait3A_428, %dma_wait3A_429, %dma_wait3A_430] : memref<4x64x1568x128xf32, #tpu.memory_space<any>> -> memref<1x8x1568x128xf32, #tpu.memory_space<any>>
    %dma_wait3A_432 = tpu.memref_squeeze %dma_wait3A_431 : memref<1x8x1568x128xf32, #tpu.memory_space<any>> -> memref<8x1568x128xf32, #tpu.memory_space<any>>
    tpu.wait_dma2 semaphore(%dma_wait3A_427 : memref<!tpu.dma_semaphore, #tpu.memory_space<semaphore_mem>>) src(%arg3 : memref<8x1568x128xf32, #tpu.memory_space<vmem>>) dst(%dma_wait3A_432 : memref<8x1568x128xf32, #tpu.memory_space<any>>)
    %dma_wait3A_433 = arith.constant 2 : i32
    %dma_wait3A_434 = arith.constant 0 : i32
    %dma_wait3A_435 = tpu.memref_slice %arg5[%dma_wait3A_434] : memref<2x!tpu.dma_semaphore, #tpu.memory_space<semaphore_mem>> -> memref<1x!tpu.dma_semaphore, #tpu.memory_space<semaphore_mem>>
    %dma_wait3A_436 = tpu.memref_squeeze %dma_wait3A_435 : memref<1x!tpu.dma_semaphore, #tpu.memory_space<semaphore_mem>> -> memref<!tpu.dma_semaphore, #tpu.memory_space<semaphore_mem>>
    %dma_wait3A_437 = arith.constant 32 : i32
    %dma_wait3A_438 = arith.constant 0 : i32
    %dma_wait3A_439 = arith.constant 0 : i32
    %dma_wait3A_440 = tpu.memref_slice %arg2[%dma_wait3A_433, %dma_wait3A_437, %dma_wait3A_438, %dma_wait3A_439] : memref<4x64x1568x128xf32, #tpu.memory_space<any>> -> memref<1x8x1568x128xf32, #tpu.memory_space<any>>
    %dma_wait3A_441 = tpu.memref_squeeze %dma_wait3A_440 : memref<1x8x1568x128xf32, #tpu.memory_space<any>> -> memref<8x1568x128xf32, #tpu.memory_space<any>>
    tpu.wait_dma2 semaphore(%dma_wait3A_436 : memref<!tpu.dma_semaphore, #tpu.memory_space<semaphore_mem>>) src(%arg3 : memref<8x1568x128xf32, #tpu.memory_space<vmem>>) dst(%dma_wait3A_441 : memref<8x1568x128xf32, #tpu.memory_space<any>>)
    %dma_wait3A_442 = arith.constant 3 : i32
    %dma_wait3A_443 = arith.constant 0 : i32
    %dma_wait3A_444 = tpu.memref_slice %arg5[%dma_wait3A_443] : memref<2x!tpu.dma_semaphore, #tpu.memory_space<semaphore_mem>> -> memref<1x!tpu.dma_semaphore, #tpu.memory_space<semaphore_mem>>
    %dma_wait3A_445 = tpu.memref_squeeze %dma_wait3A_444 : memref<1x!tpu.dma_semaphore, #tpu.memory_space<semaphore_mem>> -> memref<!tpu.dma_semaphore, #tpu.memory_space<semaphore_mem>>
    %dma_wait3A_446 = arith.constant 32 : i32
    %dma_wait3A_447 = arith.constant 0 : i32
    %dma_wait3A_448 = arith.constant 0 : i32
    %dma_wait3A_449 = tpu.memref_slice %arg2[%dma_wait3A_442, %dma_wait3A_446, %dma_wait3A_447, %dma_wait3A_448] : memref<4x64x1568x128xf32, #tpu.memory_space<any>> -> memref<1x8x1568x128xf32, #tpu.memory_space<any>>
    %dma_wait3A_450 = tpu.memref_squeeze %dma_wait3A_449 : memref<1x8x1568x128xf32, #tpu.memory_space<any>> -> memref<8x1568x128xf32, #tpu.memory_space<any>>
    tpu.wait_dma2 semaphore(%dma_wait3A_445 : memref<!tpu.dma_semaphore, #tpu.memory_space<semaphore_mem>>) src(%arg3 : memref<8x1568x128xf32, #tpu.memory_space<vmem>>) dst(%dma_wait3A_450 : memref<8x1568x128xf32, #tpu.memory_space<any>>)
    %get3A_451 = arith.constant 48 : index
    %get3A_452 = arith.constant 0 : index
    %get3A_453 = vector.load %arg0[%get3A_451, %get3A_452] : memref<128x128xf32, #tpu.memory_space<vmem>>, vector<8x128xf32>
    %broadcast_in_dim3A_454 = vector.shape_cast %get3A_453 : vector<8x128xf32> to vector<8x1x128xf32>
    %broadcast_in_dim3A_455 = vector.shape_cast %broadcast_in_dim3A_454 : vector<8x1x128xf32> to vector<8x1x128xf32>
    %broadcast_in_dim3A_456 = vector.broadcast %broadcast_in_dim3A_455 : vector<8x1x128xf32> to vector<8x1568x128xf32>
    %swap3A_457 = arith.constant 0 : index
    %swap3A_458 = arith.constant 0 : index
    %swap3A_459 = arith.constant 0 : index
    %swap3A_460 = vector.load %arg3[%swap3A_457, %swap3A_458, %swap3A_459] : memref<8x1568x128xf32, #tpu.memory_space<vmem>>, vector<8x1568x128xf32>
    tpu.vector_store %arg3[%swap3A_457, %swap3A_458, %swap3A_459], %broadcast_in_dim3A_456 {strides = array<i32>} : memref<8x1568x128xf32, #tpu.memory_space<vmem>>, vector<8x1568x128xf32>,
    %dma_start3A_461 = arith.constant 0 : i32
    %dma_start3A_462 = arith.constant 0 : i32
    %dma_start3A_463 = tpu.memref_slice %arg5[%dma_start3A_462] : memref<2x!tpu.dma_semaphore, #tpu.memory_space<semaphore_mem>> -> memref<1x!tpu.dma_semaphore, #tpu.memory_space<semaphore_mem>>
    %dma_start3A_464 = tpu.memref_squeeze %dma_start3A_463 : memref<1x!tpu.dma_semaphore, #tpu.memory_space<semaphore_mem>> -> memref<!tpu.dma_semaphore, #tpu.memory_space<semaphore_mem>>
    %dma_start3A_465 = arith.constant 48 : i32
    %dma_start3A_466 = arith.constant 0 : i32
    %dma_start3A_467 = arith.constant 0 : i32
    %dma_start3A_468 = tpu.memref_slice %arg2[%dma_start3A_461, %dma_start3A_465, %dma_start3A_466, %dma_start3A_467] : memref<4x64x1568x128xf32, #tpu.memory_space<any>> -> memref<1x8x1568x128xf32, #tpu.memory_space<any>>
    %dma_start3A_469 = tpu.memref_squeeze %dma_start3A_468 : memref<1x8x1568x128xf32, #tpu.memory_space<any>> -> memref<8x1568x128xf32, #tpu.memory_space<any>>
    tpu.enqueue_dma source(%arg3 : memref<8x1568x128xf32, #tpu.memory_space<vmem>>) target(%dma_start3A_469 : memref<8x1568x128xf32, #tpu.memory_space<any>>) target_semaphore(%dma_start3A_464 : memref<!tpu.dma_semaphore, #tpu.memory_space<semaphore_mem>>)
    %dma_start3A_470 = arith.constant 1 : i32
    %dma_start3A_471 = arith.constant 0 : i32
    %dma_start3A_472 = tpu.memref_slice %arg5[%dma_start3A_471] : memref<2x!tpu.dma_semaphore, #tpu.memory_space<semaphore_mem>> -> memref<1x!tpu.dma_semaphore, #tpu.memory_space<semaphore_mem>>
    %dma_start3A_473 = tpu.memref_squeeze %dma_start3A_472 : memref<1x!tpu.dma_semaphore, #tpu.memory_space<semaphore_mem>> -> memref<!tpu.dma_semaphore, #tpu.memory_space<semaphore_mem>>
    %dma_start3A_474 = arith.constant 48 : i32
    %dma_start3A_475 = arith.constant 0 : i32
    %dma_start3A_476 = arith.constant 0 : i32
    %dma_start3A_477 = tpu.memref_slice %arg2[%dma_start3A_470, %dma_start3A_474, %dma_start3A_475, %dma_start3A_476] : memref<4x64x1568x128xf32, #tpu.memory_space<any>> -> memref<1x8x1568x128xf32, #tpu.memory_space<any>>
    %dma_start3A_478 = tpu.memref_squeeze %dma_start3A_477 : memref<1x8x1568x128xf32, #tpu.memory_space<any>> -> memref<8x1568x128xf32, #tpu.memory_space<any>>
    tpu.enqueue_dma source(%arg3 : memref<8x1568x128xf32, #tpu.memory_space<vmem>>) target(%dma_start3A_478 : memref<8x1568x128xf32, #tpu.memory_space<any>>) target_semaphore(%dma_start3A_473 : memref<!tpu.dma_semaphore, #tpu.memory_space<semaphore_mem>>)
    %dma_start3A_479 = arith.constant 2 : i32
    %dma_start3A_480 = arith.constant 0 : i32
    %dma_start3A_481 = tpu.memref_slice %arg5[%dma_start3A_480] : memref<2x!tpu.dma_semaphore, #tpu.memory_space<semaphore_mem>> -> memref<1x!tpu.dma_semaphore, #tpu.memory_space<semaphore_mem>>
    %dma_start3A_482 = tpu.memref_squeeze %dma_start3A_481 : memref<1x!tpu.dma_semaphore, #tpu.memory_space<semaphore_mem>> -> memref<!tpu.dma_semaphore, #tpu.memory_space<semaphore_mem>>
    %dma_start3A_483 = arith.constant 48 : i32
    %dma_start3A_484 = arith.constant 0 : i32
    %dma_start3A_485 = arith.constant 0 : i32
    %dma_start3A_486 = tpu.memref_slice %arg2[%dma_start3A_479, %dma_start3A_483, %dma_start3A_484, %dma_start3A_485] : memref<4x64x1568x128xf32, #tpu.memory_space<any>> -> memref<1x8x1568x128xf32, #tpu.memory_space<any>>
    %dma_start3A_487 = tpu.memref_squeeze %dma_start3A_486 : memref<1x8x1568x128xf32, #tpu.memory_space<any>> -> memref<8x1568x128xf32, #tpu.memory_space<any>>
    tpu.enqueue_dma source(%arg3 : memref<8x1568x128xf32, #tpu.memory_space<vmem>>) target(%dma_start3A_487 : memref<8x1568x128xf32, #tpu.memory_space<any>>) target_semaphore(%dma_start3A_482 : memref<!tpu.dma_semaphore, #tpu.memory_space<semaphore_mem>>)
    %dma_start3A_488 = arith.constant 3 : i32
    %dma_start3A_489 = arith.constant 0 : i32
    %dma_start3A_490 = tpu.memref_slice %arg5[%dma_start3A_489] : memref<2x!tpu.dma_semaphore, #tpu.memory_space<semaphore_mem>> -> memref<1x!tpu.dma_semaphore, #tpu.memory_space<semaphore_mem>>
    %dma_start3A_491 = tpu.memref_squeeze %dma_start3A_490 : memref<1x!tpu.dma_semaphore, #tpu.memory_space<semaphore_mem>> -> memref<!tpu.dma_semaphore, #tpu.memory_space<semaphore_mem>>
    %dma_start3A_492 = arith.constant 48 : i32
    %dma_start3A_493 = arith.constant 0 : i32
    %dma_start3A_494 = arith.constant 0 : i32
    %dma_start3A_495 = tpu.memref_slice %arg2[%dma_start3A_488, %dma_start3A_492, %dma_start3A_493, %dma_start3A_494] : memref<4x64x1568x128xf32, #tpu.memory_space<any>> -> memref<1x8x1568x128xf32, #tpu.memory_space<any>>
    %dma_start3A_496 = tpu.memref_squeeze %dma_start3A_495 : memref<1x8x1568x128xf32, #tpu.memory_space<any>> -> memref<8x1568x128xf32, #tpu.memory_space<any>>
    tpu.enqueue_dma source(%arg3 : memref<8x1568x128xf32, #tpu.memory_space<vmem>>) target(%dma_start3A_496 : memref<8x1568x128xf32, #tpu.memory_space<any>>) target_semaphore(%dma_start3A_491 : memref<!tpu.dma_semaphore, #tpu.memory_space<semaphore_mem>>)
    %dma_wait3A_497 = arith.constant 0 : i32
    %dma_wait3A_498 = arith.constant 1 : i32
    %dma_wait3A_499 = tpu.memref_slice %arg5[%dma_wait3A_498] : memref<2x!tpu.dma_semaphore, #tpu.memory_space<semaphore_mem>> -> memref<1x!tpu.dma_semaphore, #tpu.memory_space<semaphore_mem>>
    %dma_wait3A_500 = tpu.memref_squeeze %dma_wait3A_499 : memref<1x!tpu.dma_semaphore, #tpu.memory_space<semaphore_mem>> -> memref<!tpu.dma_semaphore, #tpu.memory_space<semaphore_mem>>
    %dma_wait3A_501 = arith.constant 40 : i32
    %dma_wait3A_502 = arith.constant 0 : i32
    %dma_wait3A_503 = arith.constant 0 : i32
    %dma_wait3A_504 = tpu.memref_slice %arg2[%dma_wait3A_497, %dma_wait3A_501, %dma_wait3A_502, %dma_wait3A_503] : memref<4x64x1568x128xf32, #tpu.memory_space<any>> -> memref<1x8x1568x128xf32, #tpu.memory_space<any>>
    %dma_wait3A_505 = tpu.memref_squeeze %dma_wait3A_504 : memref<1x8x1568x128xf32, #tpu.memory_space<any>> -> memref<8x1568x128xf32, #tpu.memory_space<any>>
    tpu.wait_dma2 semaphore(%dma_wait3A_500 : memref<!tpu.dma_semaphore, #tpu.memory_space<semaphore_mem>>) src(%arg4 : memref<8x1568x128xf32, #tpu.memory_space<vmem>>) dst(%dma_wait3A_505 : memref<8x1568x128xf32, #tpu.memory_space<any>>)
    %dma_wait3A_506 = arith.constant 1 : i32
    %dma_wait3A_507 = arith.constant 1 : i32
    %dma_wait3A_508 = tpu.memref_slice %arg5[%dma_wait3A_507] : memref<2x!tpu.dma_semaphore, #tpu.memory_space<semaphore_mem>> -> memref<1x!tpu.dma_semaphore, #tpu.memory_space<semaphore_mem>>
    %dma_wait3A_509 = tpu.memref_squeeze %dma_wait3A_508 : memref<1x!tpu.dma_semaphore, #tpu.memory_space<semaphore_mem>> -> memref<!tpu.dma_semaphore, #tpu.memory_space<semaphore_mem>>
    %dma_wait3A_510 = arith.constant 40 : i32
    %dma_wait3A_511 = arith.constant 0 : i32
    %dma_wait3A_512 = arith.constant 0 : i32
    %dma_wait3A_513 = tpu.memref_slice %arg2[%dma_wait3A_506, %dma_wait3A_510, %dma_wait3A_511, %dma_wait3A_512] : memref<4x64x1568x128xf32, #tpu.memory_space<any>> -> memref<1x8x1568x128xf32, #tpu.memory_space<any>>
    %dma_wait3A_514 = tpu.memref_squeeze %dma_wait3A_513 : memref<1x8x1568x128xf32, #tpu.memory_space<any>> -> memref<8x1568x128xf32, #tpu.memory_space<any>>
    tpu.wait_dma2 semaphore(%dma_wait3A_509 : memref<!tpu.dma_semaphore, #tpu.memory_space<semaphore_mem>>) src(%arg4 : memref<8x1568x128xf32, #tpu.memory_space<vmem>>) dst(%dma_wait3A_514 : memref<8x1568x128xf32, #tpu.memory_space<any>>)
    %dma_wait3A_515 = arith.constant 2 : i32
    %dma_wait3A_516 = arith.constant 1 : i32
    %dma_wait3A_517 = tpu.memref_slice %arg5[%dma_wait3A_516] : memref<2x!tpu.dma_semaphore, #tpu.memory_space<semaphore_mem>> -> memref<1x!tpu.dma_semaphore, #tpu.memory_space<semaphore_mem>>
    %dma_wait3A_518 = tpu.memref_squeeze %dma_wait3A_517 : memref<1x!tpu.dma_semaphore, #tpu.memory_space<semaphore_mem>> -> memref<!tpu.dma_semaphore, #tpu.memory_space<semaphore_mem>>
    %dma_wait3A_519 = arith.constant 40 : i32
    %dma_wait3A_520 = arith.constant 0 : i32
    %dma_wait3A_521 = arith.constant 0 : i32
    %dma_wait3A_522 = tpu.memref_slice %arg2[%dma_wait3A_515, %dma_wait3A_519, %dma_wait3A_520, %dma_wait3A_521] : memref<4x64x1568x128xf32, #tpu.memory_space<any>> -> memref<1x8x1568x128xf32, #tpu.memory_space<any>>
    %dma_wait3A_523 = tpu.memref_squeeze %dma_wait3A_522 : memref<1x8x1568x128xf32, #tpu.memory_space<any>> -> memref<8x1568x128xf32, #tpu.memory_space<any>>
    tpu.wait_dma2 semaphore(%dma_wait3A_518 : memref<!tpu.dma_semaphore, #tpu.memory_space<semaphore_mem>>) src(%arg4 : memref<8x1568x128xf32, #tpu.memory_space<vmem>>) dst(%dma_wait3A_523 : memref<8x1568x128xf32, #tpu.memory_space<any>>)
    %dma_wait3A_524 = arith.constant 3 : i32
    %dma_wait3A_525 = arith.constant 1 : i32
    %dma_wait3A_526 = tpu.memref_slice %arg5[%dma_wait3A_525] : memref<2x!tpu.dma_semaphore, #tpu.memory_space<semaphore_mem>> -> memref<1x!tpu.dma_semaphore, #tpu.memory_space<semaphore_mem>>
    %dma_wait3A_527 = tpu.memref_squeeze %dma_wait3A_526 : memref<1x!tpu.dma_semaphore, #tpu.memory_space<semaphore_mem>> -> memref<!tpu.dma_semaphore, #tpu.memory_space<semaphore_mem>>
    %dma_wait3A_528 = arith.constant 40 : i32
    %dma_wait3A_529 = arith.constant 0 : i32
    %dma_wait3A_530 = arith.constant 0 : i32
    %dma_wait3A_531 = tpu.memref_slice %arg2[%dma_wait3A_524, %dma_wait3A_528, %dma_wait3A_529, %dma_wait3A_530] : memref<4x64x1568x128xf32, #tpu.memory_space<any>> -> memref<1x8x1568x128xf32, #tpu.memory_space<any>>
    %dma_wait3A_532 = tpu.memref_squeeze %dma_wait3A_531 : memref<1x8x1568x128xf32, #tpu.memory_space<any>> -> memref<8x1568x128xf32, #tpu.memory_space<any>>
    tpu.wait_dma2 semaphore(%dma_wait3A_527 : memref<!tpu.dma_semaphore, #tpu.memory_space<semaphore_mem>>) src(%arg4 : memref<8x1568x128xf32, #tpu.memory_space<vmem>>) dst(%dma_wait3A_532 : memref<8x1568x128xf32, #tpu.memory_space<any>>)
    %dma_wait3A_533 = arith.constant 0 : i32
    %dma_wait3A_534 = arith.constant 0 : i32
    %dma_wait3A_535 = tpu.memref_slice %arg5[%dma_wait3A_534] : memref<2x!tpu.dma_semaphore, #tpu.memory_space<semaphore_mem>> -> memref<1x!tpu.dma_semaphore, #tpu.memory_space<semaphore_mem>>
    %dma_wait3A_536 = tpu.memref_squeeze %dma_wait3A_535 : memref<1x!tpu.dma_semaphore, #tpu.memory_space<semaphore_mem>> -> memref<!tpu.dma_semaphore, #tpu.memory_space<semaphore_mem>>
    %dma_wait3A_537 = arith.constant 48 : i32
    %dma_wait3A_538 = arith.constant 0 : i32
    %dma_wait3A_539 = arith.constant 0 : i32
    %dma_wait3A_540 = tpu.memref_slice %arg2[%dma_wait3A_533, %dma_wait3A_537, %dma_wait3A_538, %dma_wait3A_539] : memref<4x64x1568x128xf32, #tpu.memory_space<any>> -> memref<1x8x1568x128xf32, #tpu.memory_space<any>>
    %dma_wait3A_541 = tpu.memref_squeeze %dma_wait3A_540 : memref<1x8x1568x128xf32, #tpu.memory_space<any>> -> memref<8x1568x128xf32, #tpu.memory_space<any>>
    tpu.wait_dma2 semaphore(%dma_wait3A_536 : memref<!tpu.dma_semaphore, #tpu.memory_space<semaphore_mem>>) src(%arg3 : memref<8x1568x128xf32, #tpu.memory_space<vmem>>) dst(%dma_wait3A_541 : memref<8x1568x128xf32, #tpu.memory_space<any>>)
    %dma_wait3A_542 = arith.constant 1 : i32
    %dma_wait3A_543 = arith.constant 0 : i32
    %dma_wait3A_544 = tpu.memref_slice %arg5[%dma_wait3A_543] : memref<2x!tpu.dma_semaphore, #tpu.memory_space<semaphore_mem>> -> memref<1x!tpu.dma_semaphore, #tpu.memory_space<semaphore_mem>>
    %dma_wait3A_545 = tpu.memref_squeeze %dma_wait3A_544 : memref<1x!tpu.dma_semaphore, #tpu.memory_space<semaphore_mem>> -> memref<!tpu.dma_semaphore, #tpu.memory_space<semaphore_mem>>
    %dma_wait3A_546 = arith.constant 48 : i32
    %dma_wait3A_547 = arith.constant 0 : i32
    %dma_wait3A_548 = arith.constant 0 : i32
    %dma_wait3A_549 = tpu.memref_slice %arg2[%dma_wait3A_542, %dma_wait3A_546, %dma_wait3A_547, %dma_wait3A_548] : memref<4x64x1568x128xf32, #tpu.memory_space<any>> -> memref<1x8x1568x128xf32, #tpu.memory_space<any>>
    %dma_wait3A_550 = tpu.memref_squeeze %dma_wait3A_549 : memref<1x8x1568x128xf32, #tpu.memory_space<any>> -> memref<8x1568x128xf32, #tpu.memory_space<any>>
    tpu.wait_dma2 semaphore(%dma_wait3A_545 : memref<!tpu.dma_semaphore, #tpu.memory_space<semaphore_mem>>) src(%arg3 : memref<8x1568x128xf32, #tpu.memory_space<vmem>>) dst(%dma_wait3A_550 : memref<8x1568x128xf32, #tpu.memory_space<any>>)
    %dma_wait3A_551 = arith.constant 2 : i32
    %dma_wait3A_552 = arith.constant 0 : i32
    %dma_wait3A_553 = tpu.memref_slice %arg5[%dma_wait3A_552] : memref<2x!tpu.dma_semaphore, #tpu.memory_space<semaphore_mem>> -> memref<1x!tpu.dma_semaphore, #tpu.memory_space<semaphore_mem>>
    %dma_wait3A_554 = tpu.memref_squeeze %dma_wait3A_553 : memref<1x!tpu.dma_semaphore, #tpu.memory_space<semaphore_mem>> -> memref<!tpu.dma_semaphore, #tpu.memory_space<semaphore_mem>>
    %dma_wait3A_555 = arith.constant 48 : i32
    %dma_wait3A_556 = arith.constant 0 : i32
    %dma_wait3A_557 = arith.constant 0 : i32
    %dma_wait3A_558 = tpu.memref_slice %arg2[%dma_wait3A_551, %dma_wait3A_555, %dma_wait3A_556, %dma_wait3A_557] : memref<4x64x1568x128xf32, #tpu.memory_space<any>> -> memref<1x8x1568x128xf32, #tpu.memory_space<any>>
    %dma_wait3A_559 = tpu.memref_squeeze %dma_wait3A_558 : memref<1x8x1568x128xf32, #tpu.memory_space<any>> -> memref<8x1568x128xf32, #tpu.memory_space<any>>
    tpu.wait_dma2 semaphore(%dma_wait3A_554 : memref<!tpu.dma_semaphore, #tpu.memory_space<semaphore_mem>>) src(%arg3 : memref<8x1568x128xf32, #tpu.memory_space<vmem>>) dst(%dma_wait3A_559 : memref<8x1568x128xf32, #tpu.memory_space<any>>)
    %dma_wait3A_560 = arith.constant 3 : i32
    %dma_wait3A_561 = arith.constant 0 : i32
    %dma_wait3A_562 = tpu.memref_slice %arg5[%dma_wait3A_561] : memref<2x!tpu.dma_semaphore, #tpu.memory_space<semaphore_mem>> -> memref<1x!tpu.dma_semaphore, #tpu.memory_space<semaphore_mem>>
    %dma_wait3A_563 = tpu.memref_squeeze %dma_wait3A_562 : memref<1x!tpu.dma_semaphore, #tpu.memory_space<semaphore_mem>> -> memref<!tpu.dma_semaphore, #tpu.memory_space<semaphore_mem>>
    %dma_wait3A_564 = arith.constant 48 : i32
    %dma_wait3A_565 = arith.constant 0 : i32
    %dma_wait3A_566 = arith.constant 0 : i32
    %dma_wait3A_567 = tpu.memref_slice %arg2[%dma_wait3A_560, %dma_wait3A_564, %dma_wait3A_565, %dma_wait3A_566] : memref<4x64x1568x128xf32, #tpu.memory_space<any>> -> memref<1x8x1568x128xf32, #tpu.memory_space<any>>
    %dma_wait3A_568 = tpu.memref_squeeze %dma_wait3A_567 : memref<1x8x1568x128xf32, #tpu.memory_space<any>> -> memref<8x1568x128xf32, #tpu.memory_space<any>>
    tpu.wait_dma2 semaphore(%dma_wait3A_563 : memref<!tpu.dma_semaphore, #tpu.memory_space<semaphore_mem>>) src(%arg3 : memref<8x1568x128xf32, #tpu.memory_space<vmem>>) dst(%dma_wait3A_568 : memref<8x1568x128xf32, #tpu.memory_space<any>>)
    return
  }
}

</mosaic_0001>

<sc_bundles>
// kernel: kernel.4.cloned.1.call-start
scs
__scs_entry_jumppad:
0x0: {  	(pc) =	sbr.rel $0x88, $3  }
0x1: {  	(tag) =	ssettag $0x0;
	lr =	simm.s32 $0x1  }
0x2: {  	[smem:$0x3FA0] =	sst lr;
	_ =	strace $0xD0000000  }
0x3: {  	_ = 	snop  }
0x4: {  	_ = 	snop  }
0x5: {  	_ = 	snop  }
0x6: {  	_ = 	snop  }
0x7: {  	_ = 	snop  }
__scs_overlays_trampoline_lowered:
0x8: {  	[smem:$0x3FAF] =	sst s0  }
0x9: {  	[smem:$0x3FB0] =	sst s1  }
0xa: {  	[smem:$0x3FB1] =	sst s2  }
0xb: {  	[smem:$0x3FB2] =	sst s3  }
0xc: {  	[smem:$0x3FB3] =	sst s4  }
0xd: {  	[smem:$0x3FB4] =	sst s5  }
0xe: {  	[smem:$0x3FB5] =	sst s6  }
0xf: {  	[smem:$0x3FB6] =	sst s7  }
0x10: {  	[smem:$0x3FB7] =	sst s8  }
0x11: {  	[smem:$0x3FB8] =	sst s9;
	s0 =	simm.s32 @!p0 $0x0  }
0x12: {  	s1 =	sld [smem:$0x3F9E];
	s0 =	simm.s32 @p0 $0x1  }
0x13: {  	[smem:$0x3FB9] =	sst s0;
	s0 =	simm.s32 @!p1 $0x0  }
0x14: {  	s2 =	sld [smem:$0x3F9D];
	s0 =	simm.s32 @p1 $0x1  }
0x15: {  	[smem:$0x3FBA] =	sst s0;
	s0 =	simm.s32 @!p2 $0x0  }
0x16: {  	s3 =	sld [smem:$0x3FDB];
	s0 =	simm.s32 @p2 $0x1  }
0x17: {  	s4 =	simm.s32 $0x1BF5;
	[smem:$0x3FBC] =	sst s0  }
0x18: {  	s0 =	sld [smem:$0x3F9F];
	_ =	swait.ge [sflag:s4], $0x0  }
0x19: {  	s7 =	sld [smem:$0x3FA0]  }
0x1a: {  	s8 =	sadd.s32 $0xFFFFE003, lr  }
0x1b: {  	s9 =	sadd.s32 $0xFFFFFEF7, lr;
	s5 =	simm.s32 $0xFFFFFFFF;
	p2 =	slt.u32 s8, $0xFFFFF086  }
0x1c: {  	p1 =	slt.u32 s9, $0xF7A;
	s5 =	simm.s32 @!p2 $0x0  }
0x1d: {  	s5 =	simm.s32 @p1 $0x1;
	p0 =	seq.s32 s7, s2  }
0x1e: {  	s7 =	smul.u32 @!p0 $0xF7A, s2;
	p2 =	seq.s32 @!p0 s5, $0x0  }
0x1f: {  	s9 =	smul.u32 $0xF7A, s1;
	s8 =	simm.s32 @!p0 $0x1BF5;
	p2 =	por !p2, p0  }
0x20: {  	[sflag:s8] =	ssyncset.s32 @!p0 $0xFFFFF086;
	s6 =	sadd.s32 @!p0 s3, s7;
	s7 =	simm.s32 @!p0 $0x108  }
0x21: {  	s3 =	sadd.s32 s3, s9;
	s6 =	sadd.s32 @!p0 $0x88, s6;
	s7 =	simm.s32 @p2 $0x1082  }
0x22: {  	[simem:s7], [sflag:s8] =	dma.local @!p0 [hbm:s6], $0xF7A  }
0x23: {  	s9 =	sor.u32 $0xD0000000, s2;
	s6 =	simm.s32 $0x108;
	_ =	swait.ge @!p0 [sflag:s8], $0x0  }
0x24: {  	s3 =	sadd.s32 $0x88, s3;
	s6 =	simm.s32 @!p1 $0x1082;
	[sflag:s4] =	ssyncset.s32 $0xFFFFF086  }
0x25: {  	[simem:s6], [sflag:s4] =	dma.local [hbm:s3], $0xF7A  }
0x26: {  	[smem:$0x3FA0] =	sst s1;
	(tag) =	ssettag s2;
	_ =	strace s9  }
0x27: {  	s1 =	sld [smem:$0x3FB0]  }
0x28: {  	s2 =	sld [smem:$0x3FB1]  }
0x29: {  	s4 =	sld [smem:$0x3FB3]  }
0x2a: {  	p0 =	seq.s32 s5, $0x0;
	s5 =	sld [smem:$0x3FB4]  }
0x2b: {  	s6 =	sld [smem:$0x3FB5]  }
0x2c: {  	s7 =	sld [smem:$0x3FB6]  }
0x2d: {  	s3 =	simm.s32 $0x108;
	s8 =	sld [smem:$0x3FB7]  }
0x2e: {  	s3 =	simm.s32 @!p0 $0x1082;
	s9 =	sld [smem:$0x3FB8]  }
0x2f: {  	lr =	sadd.s32 s0, s3;
	s0 =	sld [smem:$0x3FAF]  }
0x30: {  	s3 =	sld [smem:$0x3FB2]  }
0x31: {  	[smem:$0x3FBB] =	sst s10  }
0x32: {  	s10 =	sld [smem:$0x3FB9];
	_ =	sdelay $0x3  }
0x33: {  	p0 =	seq.s32 s10, $0x1;
	s10 =	sld [smem:$0x3FBB];
	_ =	sdelay $0x3  }
0x34: {  	[smem:$0x3FBB] =	sst s10  }
0x35: {  	s10 =	sld [smem:$0x3FBA];
	_ =	sdelay $0x3  }
0x36: {  	p1 =	seq.s32 s10, $0x1;
	s10 =	sld [smem:$0x3FBB];
	_ =	sdelay $0x3  }
0x37: {  	[smem:$0x3FBB] =	sst s10  }
0x38: {  	s10 =	sld [smem:$0x3FBC]  }
0x39: {  	_ = 	snop;
	(pc) =	sbr.ind lr, $3  }
0x3a: {  	_ = 	snop  }
0x3b: {  	_ = 	snop  }
0x3c: {  	p2 =	seq.s32 s10, $0x1;
	s10 =	sld [smem:$0x3FBB]  }
0x3d: {  	_ =	shalt  }
0x3e: {  	_ =	shalt  }
0x3f: {  	_ =	shalt  }
0x40: {  	_ =	shalt  }
0x41: {  	_ =	shalt  }
0x42: {  	_ =	shalt  }
0x43: {  	_ =	shalt  }
0x44: {  	_ =	shalt  }
0x45: {  	_ =	shalt  }
0x46: {  	_ =	shalt  }
0x47: {  	_ =	shalt  }
0x48: {  	_ =	shalt  }
0x49: {  	_ =	shalt  }
0x4a: {  	_ =	shalt  }
0x4b: {  	_ =	shalt  }
0x4c: {  	_ =	shalt  }
0x4d: {  	_ =	shalt  }
0x4e: {  	_ =	shalt  }
0x4f: {  	_ =	shalt  }
0x50: {  	_ =	shalt  }
0x51: {  	_ =	shalt  }
0x52: {  	_ =	shalt  }
0x53: {  	_ =	shalt  }
0x54: {  	_ =	shalt  }
0x55: {  	_ =	shalt  }
0x56: {  	_ =	shalt  }
0x57: {  	_ =	shalt  }
0x58: {  	_ =	shalt  }
0x59: {  	_ =	shalt  }
0x5a: {  	_ =	shalt  }
0x5b: {  	_ =	shalt  }
0x5c: {  	_ =	shalt  }
0x5d: {  	_ =	shalt  }
0x5e: {  	_ =	shalt  }
0x5f: {  	_ =	shalt  }
0x60: {  	_ =	shalt  }
0x61: {  	_ =	shalt  }
0x62: {  	_ =	shalt  }
0x63: {  	_ =	shalt  }
0x64: {  	_ =	shalt  }
0x65: {  	_ =	shalt  }
0x66: {  	_ =	shalt  }
0x67: {  	_ =	shalt  }
0x68: {  	_ =	shalt  }
0x69: {  	_ =	shalt  }
0x6a: {  	_ =	shalt  }
0x6b: {  	_ =	shalt  }
0x6c: {  	_ =	shalt  }
0x6d: {  	_ =	shalt  }
0x6e: {  	_ =	shalt  }
0x6f: {  	_ =	shalt  }
0x70: {  	_ =	shalt  }
0x71: {  	_ =	shalt  }
0x72: {  	_ =	shalt  }
0x73: {  	_ =	shalt  }
0x74: {  	_ =	shalt  }
0x75: {  	_ =	shalt  }
0x76: {  	_ =	shalt  }
0x77: {  	_ =	shalt  }
0x78: {  	_ =	shalt  }
0x79: {  	_ =	shalt  }
0x7a: {  	_ =	shalt  }
0x7b: {  	_ =	shalt  }
0x7c: {  	_ =	shalt  }
0x7d: {  	_ =	shalt  }
0x7e: {  	_ =	shalt  }
0x7f: {  	_ =	shalt  }
0x80: {  	_ =	shalt  }
0x81: {  	_ =	shalt  }
0x82: {  	_ =	shalt  }
0x83: {  	_ =	shalt  }
0x84: {  	_ =	shalt  }
0x85: {  	_ =	shalt  }
0x86: {  	_ =	shalt  }
0x87: {  	_ =	shalt  }
.Lfunc_end0:
.L_simem_size_0:
called_computation_lowered:
.L_overlay_start_0:
0x88: {  	s2 =	sld [smem:$0x3FD9]  }
0x89: {  	s3 =	sld [smem:$0x3FFE];
	_ =	sdelay $0x1  }
0x8a: {  	s1 =	srdreg.scid  }
0x8b: {  	s0 =	sand.u32 $0x1, s1  }
0x8c: {  	s18 =	sshll.u32 s0, $0xA;
	s2 =	sadd.s32 s3, s2  }
0x8d: {  	s2 =	sadd.s32 s2, s18  }
0x8e: {  	[smem:$0x3FC7] =	sst s2  }
0x8f: {  	_ = 	snop  }
0x90: {  	s2 =	sld [smem:$0x3FC9]  }
0x91: {  	s19 =	sld [smem:$0x3FD0];
	(tm) =	ssettm $0x1  }
0x92: {  	s4 =	sld [smem:$0x3FFB];
	_ =	sdelay $0x3  }
0x93: {  	_ =	strace s4  }
0x94: {  	s4 =	sld [smem:$0x3FFC];
	_ =	sdelay $0x3  }
0x95: {  	_ =	strace s4  }
0x96: {  	s4 =	sld [smem:$0x3FFD];
	_ =	sdelay $0x3  }
0x97: {  	_ =	strace s4  }
0x98: {  	_ =	strace $0x8FFFFFFF  }
0x99: {  	s20 =	sld [smem:$0x3FDB];
	_ =	sdelay $0x1  }
0x9a: {  	s5 =	simm.s32 $_scs_section_size  }
0x9b: {  	s6 =	simm.s32 $_size__tile_overlayer_lowered;
	s7 =	simm.s32 $_tile_overlayer_lowered  }
0x9c: {  	s23 =	simm.s32 $0x1BFF;
	s22 =	sshll.u32 s7, $0x1;
	s4 =	sadd.s32 s5, s20  }
0x9d: {  	s8 =	simm.s32 $0x0;
	s21 =	sshll.u32 s6, $0x1;
	s6 =	sadd.s32 s22, s4  }
0x9e: {  	[timem:s8], [sflag:s23] =	dma.local [hbm:s6], s21  }
0x9f: {  	_ =	swait.ge [sflag:s23], s21  }
0xa0: {  	s5 =	ssub.s32 $0x0, s21;
	[sflag:s23] =	ssyncset.done $0x0  }
0xa1: {  	[sflag:s23] =	ssyncadd.s32 s5;
	_ =	sdelay $0x1  }
0xa2: {  	s24 =	simm.s32 $0x1B8B  }
0xa3: {  	_ =	swait.ge [sflag:s24], $0x1  }
0xa4: {  	[sflag:s24] =	ssyncset.done $0x0  }
0xa5: {  	s25 =	simm.s32 $0x1B8E;
	[sflag:s24] =	ssyncadd.s32 $0xFFFFFFFF  }
0xa6: {  	s26 =	simm.s32 $execute0_lowered;
	[smem:$0x3FD2] =	sst s25  }
0xa7: {  	s5 =	sshll.u32 s26, $0x1;
	_ =	strace $0x80000046;
	[dreg:$0x1] =	wrdreg $0xFFFFFFFF  }
0xa8: {  	s28 =	simm.s32 $_size_execute0_lowered;
	s4 =	sadd.s32 s4, s5;
	[dreg:$0x0] =	wrdreg $0x0  }
0xa9: {  	s5 =	sshll.u32 s28, $0x1;
	[dreg:$0x2] =	wrdreg s4  }
0xaa: {  	[dreg:$0x3] =	wrdreg s5  }
0xab: {  	[dreg:$0x4] =	wrdreg $0xC0  }
0xac: {  	_ =	task [dreg:s8], $0x5FFFF  }
0xad: {  	[dreg:$0x1] =	wrdreg $0xFFFFFFFF  }
0xae: {  	[dreg:$0x0] =	wrdreg $0x60  }
0xaf: {  	[dreg:$0x2] =	wrdreg s2  }
0xb0: {  	[dreg:$0x3] =	wrdreg s19  }
0xb1: {  	[dreg:$0x4] =	wrdreg $0x9  }
0xb2: {  	_ =	task.clear_ibuf [dreg:s8], $0x5FFFF;
	_ =	strace $0x90000046  }
0xb3: {  	s29 =	simm.s32 $0x9;
	_ =	strace $0x80000048  }
0xb4: {  	_ =	swait.ge [sflag:s29], $0x1  }
0xb5: {  	[sflag:s29] =	ssyncadd.s32 $0xFFFFFFFF  }
0xb6: {  	_ =	strace $0x90000048  }
0xb7: {  	_ =	sfence  }
0xb8: {  	s30 =	sld [smem:$0x0];
	_ =	sdelay $0x2  }
0xb9: {  	s31 =	sshll.u32 s1, $0xD;
	s1 =	sshrl.u32 s1, $0x2  }
0xba: {  	s3 =	sand.u32 $0x4000, s31;
	s1 =	sadd.s32 s1, s30  }
0xbb: {  	s0 =	sor.u32 s3, s0;
	s1 =	sshll.u32 s1, $0x11  }
0xbc: {  	s0 =	sor.u32 s1, s0  }
0xbd: {  	s0 =	sadd.s32 $0x8F2B, s0  }
0xbe: {  	[sflag:s0] =	ssyncadd.remote.s32 $0x1  }
0xbf: {  	_ =	sfence.sel $0xFFFF  }
0xc0: {  	[dreg:$0x0] =	wrdreg $0xFFFFFFFF;
	(pc) =	sbr.abs _section_cstart, $3  }
0xc1: {  	[dreg:$0x1] =	wrdreg $0xFFFFFFFF  }
0xc2: {  	_ =	task.clear_ibuf [dreg:s8], $0x2FFFF;
	_ =	strace $0x9FFFFFFF  }
0xc3: {  	(tm) =	ssettm $0x7FFFFFFF  }
tec
execute0_lowered:
.L_overlay_start_1:
0x0: {  	(tag) =	ssettag $0x1  }
0x1: {  	s1 =	stileid.u32  }
0x2: {  	s2 =	rddreg [dreg:$0x0];
	s4 =	sshrl.u32 s1, $0x1  }
0x3: {  	s8 =	rddreg [dreg:$0x1];
	s3 =	simm.s32 $0x0;
	s9 =	sor.u32 $0x38, s4  }
0x4: {  	[smem:$0x7FF] =	sst s3;
	v0 =	vmov s9  }
0x5: {  	s0 =	rddreg [dreg:$0x2];
	_ =	strace $0x80000047;
	[tilespmem:$0x7020] =	vst v0  }
0x6: {  	[tilespmem:$0x7030] =	vst v0  }
0x7: {  	[tilespmem:$0x7040] =	vst v0  }
0x8: {  	[tilespmem:$0x7000] =	vst v0  }
0x9: {  	[tilespmem:$0x7060] =	vst v0  }
0xa: {  	s30 =	srdreg.scid;
	s5 =	simm.s32 $0x7000;
	s31 =	sshll.u32 s1, $0x1;
	[tilespmem:$0x7050] =	vst v0  }
0xb: {  	s16 =	sand.u32 $0x1, s30;
	s6 =	sand.u32 $0x2, s31;
	s4 =	simm.s32 $0x70;
	[tilespmem:$0x7010] =	vst v0  }
0xc: {  	[tilespmem:s3], [sflag:$0x1] =	stream.indirect.gather [hbm4b:s2+s4], $0x80, s5, s4, $0xb8;
	[tilespmem:$0x7080] =	vst v63  }
0xd: {  	s7 =	simm.s32 $0x1;
	s10 =	sor.u32 s16, s6;
	s6 =	simm.s32 $0x3800  }
0xe: {  	[tilespmem:s6], [sflag:$0x1] =	stream.indirect.gather [hbm4b:s2+s4], $0x80, s5, s4, $0xb8;
	[tilespmem:$0x7080] =	vst v63  }
0xf: {  	s9 =	smul.u32 $0x31000, s9;
	_ =	swait.ge [sflag:s7], $0x3800  }
0x10: {  	s10 =	smul.u32 $0xC40000, s10;
	[sflag:s7] =	ssyncset.done $0x0  }
0x11: {  	[sflag:s7] =	ssyncadd.s32 $0xFFFFC800  }
0x12: {  	s9 =	sadd.s32 s9, s10;
	_ =	swait.ge [sflag:s7], $0x3800  }
0x13: {  	s9 =	sshrl.u32 s9, $0x3;
	[sflag:s7] =	ssyncset.done $0x0  }
0x14: {  	s8 =	sadd.s32 s8, s9;
	[sflag:s7] =	ssyncadd.s32 $0xFFFFC800  }
0x15: {  	[hbm4b:s8+s3] =	stream.linear.scatter [tilespmem:s3], [sflag:$0x2], $0x7000, $0x38;
	[tilespmem:$0x7080] =	vst v63  }
0x16: {  	s9 =	sadd.s32 $0xE00, s8  }
0x17: {  	[hbm4b:s9+s3] =	stream.linear.scatter [tilespmem:s3], [sflag:$0x2], $0x7000, $0x38;
	[tilespmem:$0x7080] =	vst v63  }
0x18: {  	s10 =	sadd.s32 $0x1C00, s8  }
0x19: {  	[hbm4b:s10+s3] =	stream.linear.scatter [tilespmem:s3], [sflag:$0x2], $0x7000, $0x38;
	[tilespmem:$0x7080] =	vst v63  }
0x1a: {  	s11 =	sadd.s32 $0x2A00, s8  }
0x1b: {  	[hbm4b:s11+s3] =	stream.linear.scatter [tilespmem:s3], [sflag:$0x2], $0x7000, $0x38;
	[tilespmem:$0x7080] =	vst v63  }
0x1c: {  	s12 =	sadd.s32 $0x3800, s8  }
0x1d: {  	[hbm4b:s12+s3] =	stream.linear.scatter [tilespmem:s3], [sflag:$0x2], $0x7000, $0x38;
	[tilespmem:$0x7080] =	vst v63  }
0x1e: {  	s13 =	sadd.s32 $0x4600, s8  }
0x1f: {  	[hbm4b:s13+s3] =	stream.linear.scatter [tilespmem:s3], [sflag:$0x2], $0x7000, $0x38;
	[tilespmem:$0x7080] =	vst v63  }
0x20: {  	s14 =	simm.s32 $0x2;
	s15 =	sadd.s32 $0x5400, s8  }
0x21: {  	[hbm4b:s15+s3] =	stream.linear.scatter [tilespmem:s3], [sflag:$0x2], $0x7000, $0x38;
	[tilespmem:$0x7080] =	vst v63  }
0x22: {  	_ =	swait.ge [sflag:s14], $0x7000  }
0x23: {  	[sflag:s14] =	ssyncset.done $0x0  }
0x24: {  	[sflag:s14] =	ssyncadd.s32 $0xFFFF9000  }
0x25: {  	_ =	swait.ge [sflag:s14], $0x7000  }
0x26: {  	[sflag:s14] =	ssyncset.done $0x0  }
0x27: {  	[sflag:s14] =	ssyncadd.s32 $0xFFFF9000  }
0x28: {  	_ =	swait.ge [sflag:s14], $0x7000  }
0x29: {  	[sflag:s14] =	ssyncset.done $0x0  }
0x2a: {  	[sflag:s14] =	ssyncadd.s32 $0xFFFF9000  }
0x2b: {  	_ =	swait.ge [sflag:s14], $0x7000  }
0x2c: {  	s16 =	ssub.s32 $0x2, s16;
	[sflag:s14] =	ssyncset.done $0x0  }
0x2d: {  	s17 =	sshrl.u32 s16, $0x1;
	[sflag:s14] =	ssyncadd.s32 $0xFFFF9000  }
0x2e: {  	s16 =	ssub.s32 s16, s17;
	_ =	swait.ge [sflag:s14], $0x7000  }
0x2f: {  	s16 =	smax.u32 s16, $0x1;
	[sflag:s14] =	ssyncset.done $0x0  }
0x30: {  	p0 =	sne.s32 s16, $0x1;
	[sflag:s14] =	ssyncadd.s32 $0xFFFF9000  }
.Ltmp0:
0x31: {  	_ =	swait.ge [sflag:s14], $0x7000;
	(pc) =	sbr.rel @!p0 .LBB2_2-.Ltmp0, $4  }
0x32: {  	[sflag:s14] =	ssyncset.done $0x0  }
0x33: {  	[sflag:s14] =	ssyncadd.s32 $0xFFFF9000  }
0x34: {  	_ =	swait.ge [sflag:s14], $0x7000  }
0x35: {  	s16 =	sadd.s32 $0xFFFFFFFF, s16;
	[sflag:s14] =	ssyncset.done $0x0  }
.LBB2_1:
0x36: {  	p0 =	sne.s32 s16, $0x1;
	s16 =	sadd.s32 $0xFFFFFFFF, s16;
	[sflag:s14] =	ssyncadd.s32 $0xFFFF9000  }
0x37: {  	[tilespmem:$0x7020] =	vst v0  }
0x38: {  	[tilespmem:$0x7030] =	vst v0  }
0x39: {  	[tilespmem:$0x7040] =	vst v0  }
0x3a: {  	[tilespmem:$0x7000] =	vst v0  }
0x3b: {  	[tilespmem:$0x7060] =	vst v0  }
0x3c: {  	[tilespmem:$0x7050] =	vst v0  }
0x3d: {  	[tilespmem:$0x7010] =	vst v0  }
0x3e: {  	[tilespmem:s3], [sflag:$0x1] =	stream.indirect.gather [hbm4b:s2+s4], $0x80, s5, s4, $0xb8;
	[tilespmem:$0x7080] =	vst v63  }
0x3f: {  	_ = 	snop  }
0x40: {  	[tilespmem:s6], [sflag:$0x1] =	stream.indirect.gather [hbm4b:s2+s4], $0x80, s5, s4, $0xb8;
	[tilespmem:$0x7080] =	vst v63  }
0x41: {  	_ =	swait.ge [sflag:s7], $0x3800  }
0x42: {  	[sflag:s7] =	ssyncset.done $0x0  }
0x43: {  	[sflag:s7] =	ssyncadd.s32 $0xFFFFC800  }
0x44: {  	_ =	swait.ge [sflag:s7], $0x3800  }
0x45: {  	[sflag:s7] =	ssyncset.done $0x0  }
0x46: {  	[sflag:s7] =	ssyncadd.s32 $0xFFFFC800  }
0x47: {  	[hbm4b:s8+s3] =	stream.linear.scatter [tilespmem:s3], [sflag:$0x2], $0x7000, $0x38;
	[tilespmem:$0x7080] =	vst v63  }
0x48: {  	_ = 	snop  }
0x49: {  	[hbm4b:s9+s3] =	stream.linear.scatter [tilespmem:s3], [sflag:$0x2], $0x7000, $0x38;
	[tilespmem:$0x7080] =	vst v63  }
0x4a: {  	_ = 	snop  }
0x4b: {  	[hbm4b:s10+s3] =	stream.linear.scatter [tilespmem:s3], [sflag:$0x2], $0x7000, $0x38;
	[tilespmem:$0x7080] =	vst v63  }
0x4c: {  	_ = 	snop  }
0x4d: {  	[hbm4b:s11+s3] =	stream.linear.scatter [tilespmem:s3], [sflag:$0x2], $0x7000, $0x38;
	[tilespmem:$0x7080] =	vst v63  }
0x4e: {  	_ = 	snop  }
0x4f: {  	[hbm4b:s12+s3] =	stream.linear.scatter [tilespmem:s3], [sflag:$0x2], $0x7000, $0x38;
	[tilespmem:$0x7080] =	vst v63  }
0x50: {  	_ = 	snop  }
0x51: {  	[hbm4b:s13+s3] =	stream.linear.scatter [tilespmem:s3], [sflag:$0x2], $0x7000, $0x38;
	[tilespmem:$0x7080] =	vst v63  }
0x52: {  	_ = 	snop  }
0x53: {  	[hbm4b:s15+s3] =	stream.linear.scatter [tilespmem:s3], [sflag:$0x2], $0x7000, $0x38;
	[tilespmem:$0x7080] =	vst v63  }
0x54: {  	_ =	swait.ge [sflag:s14], $0x7000  }
0x55: {  	[sflag:s14] =	ssyncset.done $0x0  }
0x56: {  	[sflag:s14] =	ssyncadd.s32 $0xFFFF9000  }
0x57: {  	_ =	swait.ge [sflag:s14], $0x7000  }
0x58: {  	[sflag:s14] =	ssyncset.done $0x0  }
0x59: {  	[sflag:s14] =	ssyncadd.s32 $0xFFFF9000  }
0x5a: {  	_ =	swait.ge [sflag:s14], $0x7000  }
0x5b: {  	[sflag:s14] =	ssyncset.done $0x0  }
0x5c: {  	[sflag:s14] =	ssyncadd.s32 $0xFFFF9000  }
0x5d: {  	_ =	swait.ge [sflag:s14], $0x7000  }
0x5e: {  	[sflag:s14] =	ssyncset.done $0x0  }
0x5f: {  	[sflag:s14] =	ssyncadd.s32 $0xFFFF9000  }
0x60: {  	_ =	swait.ge [sflag:s14], $0x7000  }
0x61: {  	[sflag:s14] =	ssyncset.done $0x0  }
0x62: {  	[sflag:s14] =	ssyncadd.s32 $0xFFFF9000  }
.Ltmp1:
0x63: {  	_ =	swait.ge [sflag:s14], $0x7000;
	(pc) =	sbr.rel @p0 .LBB2_1-.Ltmp1, $4  }
0x64: {  	[sflag:s14] =	ssyncset.done $0x0  }
0x65: {  	[sflag:s14] =	ssyncadd.s32 $0xFFFF9000  }
0x66: {  	_ =	swait.ge [sflag:s14], $0x7000  }
0x67: {  	[sflag:s14] =	ssyncset.done $0x0  }
.LBB2_2:
0x68: {  	[sflag:s14] =	ssyncadd.s32 $0xFFFF9000  }
0x69: {  	_ =	sfence.sel $0x180000  }
0x6a: {  	[bflag:$0x0] =	sbarrier.arrive $0xFFFF  }
0x6b: {  	p0 =	sne.s32 s1, $0x0;
	_ =	strace $0x90000047  }
0x6c: {  	s0 =	sadd.s32 @!p0 $0x100000, s0;
	[bflag:$0x2] =	sbarrier.arrive $0xFFFF  }
0x6d: {  	[sflag:s0] =	ssyncadd.tile.s32 @!p0 $0x1;
	_ =	shalt  }
.Lfunc_end2:
_tile_overlayer_lowered:
.L_overlay_start_2:
0x6e: {  	(tag) =	ssettag $0x2  }
0x6f: {  	s0 =	rddreg [dreg:$0x0];
	s2 =	stileid.u32  }
0x70: {  	s1 =	rddreg [dreg:$0x1];
	p0 =	sne.s32 s2, $0x0  }
0x71: {  	s3 =	rddreg [dreg:$0x2];
	[bflag:$0x3] =	sbarrier.arrive $0xFFFF;
	s2 =	simm.s32 @!p0 $0x1C03  }
0x72: {  	[timem:s3], [sflag:s2] =	dma.local @!p0 [hbm:s0], s1  }
0x73: {  	s0 =	simm.s32 @!p0 $0x3  }
0x74: {  	_ =	swait.ge @!p0 [sflag:s0], s1  }
0x75: {  	s1 =	ssub.s32 @!p0 $0x0, s1;
	[sflag:s0] =	ssyncset.done @!p0 $0x0  }
0x76: {  	[sflag:s0] =	ssyncadd.s32 @!p0 s1  }
0x77: {  	[bflag:$0x3] =	sbarrier.arrive $0xFFFF  }
0x78: {  	_ =	shalt  }

</sc_bundles>
